<compile_context>
chip_gen: v7x
topology: tpu7x:2x2x1
jax: 0.10.2.dev20260603
libtpu: 0.0.44.dev20260713+nightly
codegen_flags: <defaults>
</compile_context>

<pallas_src>
import functools

import jax
import jax.numpy as jnp
from jax import lax
from jax.experimental import pallas as pl
from jax.experimental.pallas import tpu as pltpu
from jax.experimental.pallas import tpu_sc as plsc

NC = 2
NS = 16
CHUNK = 128


def _sc_pool(idx_all, seg, table, B, L, D):
    per_w = (B * L) // NS
    n_chunks = per_w // CHUNK
    seg_w = B // NS

    mesh = plsc.VectorSubcoreMesh(core_axis_name="c", subcore_axis_name="s",
                                  num_cores=NC, num_subcores=NS)

    @functools.partial(
        pl.kernel,
        out_type=jax.ShapeDtypeStruct((2 * B, D), jnp.float32),
        mesh=mesh,
        scratch_types=dict(
            idx0=pltpu.VMEM((CHUNK,), jnp.int32),
            idx1=pltpu.VMEM((CHUNK,), jnp.int32),
            seg0=pltpu.VMEM((CHUNK,), jnp.int32),
            seg1=pltpu.VMEM((CHUNK,), jnp.int32),
            rows0=pltpu.VMEM((CHUNK, D), jnp.float32),
            rows1=pltpu.VMEM((CHUNK, D), jnp.float32),
            acc=pltpu.VMEM_SHARED((B, D), jnp.float32),
            sem_i0=pltpu.SemaphoreType.DMA,
            sem_i1=pltpu.SemaphoreType.DMA,
            sem_s0=pltpu.SemaphoreType.DMA,
            sem_s1=pltpu.SemaphoreType.DMA,
            sem_g0=pltpu.SemaphoreType.DMA,
            sem_g1=pltpu.SemaphoreType.DMA,
        ),
        compiler_params=pltpu.CompilerParams(use_tc_tiling_on_sc=False),
    )
    def body(idx_hbm, seg_hbm, table_hbm, out_hbm, *, idx0, idx1, seg0, seg1,
             rows0, rows1, acc, sem_i0, sem_i1, sem_s0, sem_s1, sem_g0, sem_g1):
        c = lax.axis_index("c")
        s = lax.axis_index("s")
        base = c * (B * L) + s * per_w
        sbase = s * per_w

        idxb = (idx0, idx1)
        segb = (seg0, seg1)
        rowsb = (rows0, rows1)
        sem_i = (sem_i0, sem_i1)
        sem_s = (sem_s0, sem_s1)
        sem_g = (sem_g0, sem_g1)

        zv = jnp.zeros((16,), jnp.float32)

        def zrow(i, _):
            for h in range(D // 16):
                rows0[i, pl.ds(h * 16, 16)] = zv
            return 0

        lax.fori_loop(0, CHUNK, zrow, 0)
        for j in range(seg_w // CHUNK):
            pltpu.sync_copy(rows0,
                            acc.at[pl.ds(s * seg_w + j * CHUNK, CHUNK)])

        def start_a(k, b):
            pltpu.async_copy(idx_hbm.at[pl.ds(base + k * CHUNK, CHUNK)],
                             idxb[b], sem_i[b])
            pltpu.async_copy(seg_hbm.at[pl.ds(sbase + k * CHUNK, CHUNK)],
                             segb[b], sem_s[b])

        def wait_a(k, b):
            pltpu.make_async_copy(idx_hbm.at[pl.ds(base + k * CHUNK, CHUNK)],
                                  idxb[b], sem_i[b]).wait()
            pltpu.make_async_copy(seg_hbm.at[pl.ds(sbase + k * CHUNK, CHUNK)],
                                  segb[b], sem_s[b]).wait()

        def start_g(b):
            pltpu.async_copy(table_hbm.at[idxb[b]], rowsb[b], sem_g[b])

        def wait_g(b):
            pltpu.make_async_copy(table_hbm.at[idxb[b]], rowsb[b],
                                  sem_g[b]).wait()

        start_a(0, 0)
        start_a(1, 1)
        wait_a(0, 0)
        start_g(0)

        def step(k, _):
            for b in range(2):
                kk = k + b
                wait_g(b)
                @pl.when(kk + 1 < n_chunks)
                def _():
                    wait_a(kk + 1, 1 - b)
                    start_g(1 - b)

                pltpu.sync_copy(rowsb[b], acc.at[segb[b]], add=True)

                @pl.when(kk + 2 < n_chunks)
                def _():
                    start_a(kk + 2, b)

            return 0

        lax.fori_loop(0, n_chunks // 2, lambda k, x: step(2 * k, x), 0,
                      unroll=False)

        pltpu.sync_copy(acc.at[pl.ds(s * seg_w, seg_w)],
                        out_hbm.at[pl.ds(c * B + s * seg_w, seg_w)])

    return body(idx_all, seg, table)


def _tc_head(sums_pre, sums_post, len_pre, len_post, W, b, B, D, C, bm=2048):
    def body(sp_ref, ss_ref, lp_ref, ls_ref, w_ref, b_ref, o_ref):
        lp = lp_ref[...].astype(jnp.float32)
        ls = ls_ref[...].astype(jnp.float32)
        h = jnp.concatenate([sp_ref[...] / lp, ss_ref[...] / ls], axis=1)
        w = w_ref[...]
        logits = lax.dot_general(h, w, (((1,), (1,)), ((), ())),
                                 preferred_element_type=jnp.float32)
        logits = logits + b_ref[...]
        m = jnp.max(logits, axis=1, keepdims=True)
        e = jnp.exp(logits - m)
        lse = jnp.log(jnp.sum(e, axis=1, keepdims=True)) + m
        o_ref[...] = logits - lse

    grid = (B // bm,)
    return pl.pallas_call(
        body,
        grid=grid,
        in_specs=[
            pl.BlockSpec((bm, D), lambda i: (i, 0)),
            pl.BlockSpec((bm, D), lambda i: (i, 0)),
            pl.BlockSpec((bm, 1), lambda i: (i, 0)),
            pl.BlockSpec((bm, 1), lambda i: (i, 0)),
            pl.BlockSpec((C, 2 * D), lambda i: (0, 0)),
            pl.BlockSpec((1, C), lambda i: (0, 0)),
        ],
        out_specs=pl.BlockSpec((bm, C), lambda i: (i, 0)),
        out_shape=jax.ShapeDtypeStruct((B, C), jnp.float32),
    )(sums_pre, sums_post, len_pre.reshape(B, 1), len_post.reshape(B, 1),
      W, b.reshape(1, C))


def kernel(data_pre, data_post, len_pre, len_post, emb_table, W, b):
    B, L = data_pre.shape
    V, D = emb_table.shape
    C = W.shape[0]
    idx_all = jnp.concatenate([data_pre.reshape(-1), data_post.reshape(-1)])
    idx_all = idx_all.astype(jnp.int32)
    seg = (jnp.arange(B * L, dtype=jnp.int32) // L).astype(jnp.int32)
    sums = _sc_pool(idx_all, seg, emb_table, B, L, D)
    return _tc_head(sums[:B], sums[B:], len_pre, len_post, W, b, B, D, C)

# --- scband reference (transcript-rebuilt; emitter-appended) ---
"""Pipeline reference for scband-logistic-regression-68934225101304 (READ-ONLY COPY).

The authoritative reference and input builder live on the scoring server;
editing this copy changes nothing except your own understanding.
"""

import jax, jax.numpy as jnp
import numpy as np

B, L, V, D, C = 16384, 50, 1000000, 32, 2

def setup_inputs(seed: int = 0) -> dict:
    key = jax.random.key(seed)
    ks = jax.random.split(key, 7)
    data_pre = jax.random.randint(ks[0], (B, L), 0, V, dtype=jnp.int64) if jax.config.jax_enable_x64 else jax.random.randint(ks[0], (B, L), 0, V, dtype=jnp.int32)
    data_post = jax.random.randint(ks[1], (B, L), 0, V, dtype=data_pre.dtype)
    # lengths in [1, L] to avoid divide-by-zero (module divides pooled sum by length)
    len_pre = jax.random.randint(ks[2], (B,), 1, L + 1, dtype=data_pre.dtype)
    len_post = jax.random.randint(ks[3], (B,), 1, L + 1, dtype=data_pre.dtype)
    # learned parameters: embedding table + linear head (xavier-normal W, uniform b)
    emb_table = jax.random.normal(ks[4], (V, D), dtype=jnp.float32) * 0.02
    fan_in, fan_out = 2 * D, C
    std = float(np.sqrt(2.0 / (fan_in + fan_out)))
    W = jax.random.normal(ks[5], (C, 2 * D), dtype=jnp.float32) * std
    b = jax.random.uniform(ks[6], (C,), dtype=jnp.float32)
    return {"data_pre": data_pre, "data_post": data_post, "len_pre": len_pre,
            "len_post": len_post, "emb_table": emb_table, "W": W, "b": b}


def reference(data_pre, data_post, len_pre, len_post, emb_table, W, b):
    # embedding lookup (gather) + sum-pool over sequence dim, divided by length
    out_pre = jnp.take(emb_table, data_pre, axis=0)          # [B, L, D]
    out_pre = jnp.sum(out_pre, axis=1)                        # [B, D]
    out_pre = out_pre / len_pre[:, None].astype(jnp.float32)  # [B, D]
    out_post = jnp.take(emb_table, data_post, axis=0)
    out_post = jnp.sum(out_post, axis=1)
    out_post = out_post / len_post[:, None].astype(jnp.float32)
    # cat_mode == 'DIRECT': concatenate pre/post pooled embeddings
    out = jnp.concatenate([out_pre, out_post], axis=1)        # [B, 2D]
    logit = out @ W.T + b                                     # [B, C]
    return jax.nn.log_softmax(logit, axis=1)


if False:  # reference __main__ guard neutralized (emitter)
    inp = setup_inputs()
    y = reference(**inp)
    print(y.shape, y.dtype)

if __name__ == "__main__":
    import jax
    _d = setup_inputs()
    print(jax.jit(kernel)(*tuple(_d.values())))

</pallas_src>

<mosaic_0001>
#map = affine_map<(d0, d1) -> (0)>
#map1 = affine_map<(d0, d1) -> (0, 0)>
module attributes {stable_mosaic.version = 14 : i64} {
  func.func @body(%arg0: i32, %arg1: i32, %arg2: memref<1638400xi32, #tpu.memory_space<hbm>>, %arg3: memref<819200xi32, #tpu.memory_space<hbm>>, %arg4: memref<1000000x32xf32, #tpu.memory_space<hbm>>, %arg5: memref<32768x32xf32, #tpu.memory_space<hbm>>, %arg6: memref<16384x32xf32, #tpu.memory_space<vmem_shared>>, %arg7: memref<128xi32, #tpu.memory_space<vmem>>, %arg8: memref<128xi32, #tpu.memory_space<vmem>>, %arg9: memref<128x32xf32, #tpu.memory_space<vmem>>, %arg10: memref<128x32xf32, #tpu.memory_space<vmem>>, %arg11: memref<128xi32, #tpu.memory_space<vmem>>, %arg12: memref<128xi32, #tpu.memory_space<vmem>>, %arg13: memref<!tpu.dma_semaphore, #tpu.memory_space<semaphore_mem>>, %arg14: memref<!tpu.dma_semaphore, #tpu.memory_space<semaphore_mem>>, %arg15: memref<!tpu.dma_semaphore, #tpu.memory_space<semaphore_mem>>, %arg16: memref<!tpu.dma_semaphore, #tpu.memory_space<semaphore_mem>>, %arg17: memref<!tpu.dma_semaphore, #tpu.memory_space<semaphore_mem>>, %arg18: memref<!tpu.dma_semaphore, #tpu.memory_space<semaphore_mem>>) attributes {dimension_semantics = [#tpu.dimension_semantics<core_parallel>, #tpu.dimension_semantics<subcore_parallel>], iteration_bounds = array<i64: 2, 16>, scalar_prefetch = 0 : i64, scratch_operands = 13 : i64, tpu.core_type = #tpu.core_type<sc_vector_subcore>, window_params = [{transform_indices = #map}, {transform_indices = #map}, {transform_indices = #map1}, {transform_indices = #map1}]} {
    %mul3A = arith.constant 819200 : i32
    %mul3A_0 = arith.muli %arg0, %mul3A : i32
    %mul3A_1 = arith.constant 51200 : i32
    %mul3A_2 = arith.muli %arg1, %mul3A_1 : i32
    %add3A = arith.addi %mul3A_0, %mul3A_2 : i32
    %mul3A_3 = arith.constant 51200 : i32
    %mul3A_4 = arith.muli %arg1, %mul3A_3 : i32
    %broadcast_in_dim3A = arith.constant 0.000000e+00 : f32
    %broadcast_in_dim3A_5 = vector.broadcast %broadcast_in_dim3A : f32 to vector<16xf32>
    %scan3A = arith.constant 0 : i32
    %scan3A_6 = arith.constant 0 : i32
    %scan3A_7 = arith.constant 128 : i32
    %scan3A_8 = arith.addi %scan3A_6, %scan3A_7 : i32
    %scan3A_9 = arith.constant 1 : i32
    %scan3A_10 = scf.for %scan3A_83 = %scan3A_6 to %scan3A_8 step %scan3A_9 iter_args(%scan3A_84 = %scan3A) -> (i32)  : i32 {
      %swap3A = arith.index_cast %scan3A_83 : i32 to index
      %swap3A_85 = arith.constant 0 : index
      %swap3A_86 = tpu.vector_load %arg9[%swap3A, %swap3A_85] {strides = array<i32>} : memref<128x32xf32, #tpu.memory_space<vmem>>, vector<1x16xf32>,
      %swap3A_87 = vector.shape_cast %swap3A_86 : vector<1x16xf32> to vector<16xf32>
      %swap3A_88 = vector.shape_cast %broadcast_in_dim3A_5 : vector<16xf32> to vector<1x16xf32>
      tpu.vector_store %arg9[%swap3A, %swap3A_85], %swap3A_88 {strides = array<i32>} : memref<128x32xf32, #tpu.memory_space<vmem>>, vector<1x16xf32>,
      %swap3A_89 = arith.index_cast %scan3A_83 : i32 to index
      %swap3A_90 = arith.constant 16 : index
      %swap3A_91 = tpu.vector_load %arg9[%swap3A_89, %swap3A_90] {strides = array<i32>} : memref<128x32xf32, #tpu.memory_space<vmem>>, vector<1x16xf32>,
      %swap3A_92 = vector.shape_cast %swap3A_91 : vector<1x16xf32> to vector<16xf32>
      %swap3A_93 = vector.shape_cast %broadcast_in_dim3A_5 : vector<16xf32> to vector<1x16xf32>
      tpu.vector_store %arg9[%swap3A_89, %swap3A_90], %swap3A_93 {strides = array<i32>} : memref<128x32xf32, #tpu.memory_space<vmem>>, vector<1x16xf32>,
      %scan3A_94 = arith.constant 0 : i32
      scf.yield %scan3A_94 : i32
    }
    %scan3A_11 = arith.constant 128 : i32
    %mul3A_12 = arith.constant 1024 : i32
    %mul3A_13 = arith.muli %arg1, %mul3A_12 : i32
    %add3A_14 = arith.constant 0 : i32
    %add3A_15 = arith.addi %mul3A_13, %add3A_14 : i32
    "tpu.region"() ({
      %run_scoped3A = tpu.sem_alloc : memref<!tpu.dma_semaphore, #tpu.memory_space<semaphore_mem>>
      %dma_start3A_83 = arith.constant 0 : i32
      %dma_start3A_84 = tpu.memref_slice %arg6[%add3A_15, %dma_start3A_83] : memref<16384x32xf32, #tpu.memory_space<vmem_shared>> -> memref<128x32xf32, #tpu.memory_space<vmem_shared>>
      %dma_start3A_85 = arith.constant 0 : i32
      %dma_start3A_86 = tpu.memref_slice %arg6[%add3A_15, %dma_start3A_85] : memref<16384x32xf32, #tpu.memory_space<vmem_shared>> -> memref<128x32xf32, #tpu.memory_space<vmem_shared>>
      tpu.enqueue_dma source(%arg9 : memref<128x32xf32, #tpu.memory_space<vmem>>) target(%dma_start3A_86 : memref<128x32xf32, #tpu.memory_space<vmem_shared>>) target_semaphore(%run_scoped3A : memref<!tpu.dma_semaphore, #tpu.memory_space<semaphore_mem>>)
      %dma_wait3A_87 = arith.constant 0 : i32
      %dma_wait3A_88 = tpu.memref_slice %arg6[%add3A_15, %dma_wait3A_87] : memref<16384x32xf32, #tpu.memory_space<vmem_shared>> -> memref<128x32xf32, #tpu.memory_space<vmem_shared>>
      %dma_wait3A_89 = arith.constant 0 : i32
      %dma_wait3A_90 = tpu.memref_slice %arg6[%add3A_15, %dma_wait3A_89] : memref<16384x32xf32, #tpu.memory_space<vmem_shared>> -> memref<128x32xf32, #tpu.memory_space<vmem_shared>>
      tpu.wait_dma2 semaphore(%run_scoped3A : memref<!tpu.dma_semaphore, #tpu.memory_space<semaphore_mem>>) src(%arg9 : memref<128x32xf32, #tpu.memory_space<vmem>>) dst(%dma_wait3A_90 : memref<128x32xf32, #tpu.memory_space<vmem_shared>>)
      tpu.yield
    }) : () -> ()
    %mul3A_16 = arith.constant 1024 : i32
    %mul3A_17 = arith.muli %arg1, %mul3A_16 : i32
    %add3A_18 = arith.constant 128 : i32
    %add3A_19 = arith.addi %mul3A_17, %add3A_18 : i32
    "tpu.region"() ({
      %run_scoped3A = tpu.sem_alloc : memref<!tpu.dma_semaphore, #tpu.memory_space<semaphore_mem>>
      %dma_start3A_83 = arith.constant 0 : i32
      %dma_start3A_84 = tpu.memref_slice %arg6[%add3A_19, %dma_start3A_83] : memref<16384x32xf32, #tpu.memory_space<vmem_shared>> -> memref<128x32xf32, #tpu.memory_space<vmem_shared>>
      %dma_start3A_85 = arith.constant 0 : i32
      %dma_start3A_86 = tpu.memref_slice %arg6[%add3A_19, %dma_start3A_85] : memref<16384x32xf32, #tpu.memory_space<vmem_shared>> -> memref<128x32xf32, #tpu.memory_space<vmem_shared>>
      tpu.enqueue_dma source(%arg9 : memref<128x32xf32, #tpu.memory_space<vmem>>) target(%dma_start3A_86 : memref<128x32xf32, #tpu.memory_space<vmem_shared>>) target_semaphore(%run_scoped3A : memref<!tpu.dma_semaphore, #tpu.memory_space<semaphore_mem>>)
      %dma_wait3A_87 = arith.constant 0 : i32
      %dma_wait3A_88 = tpu.memref_slice %arg6[%add3A_19, %dma_wait3A_87] : memref<16384x32xf32, #tpu.memory_space<vmem_shared>> -> memref<128x32xf32, #tpu.memory_space<vmem_shared>>
      %dma_wait3A_89 = arith.constant 0 : i32
      %dma_wait3A_90 = tpu.memref_slice %arg6[%add3A_19, %dma_wait3A_89] : memref<16384x32xf32, #tpu.memory_space<vmem_shared>> -> memref<128x32xf32, #tpu.memory_space<vmem_shared>>
      tpu.wait_dma2 semaphore(%run_scoped3A : memref<!tpu.dma_semaphore, #tpu.memory_space<semaphore_mem>>) src(%arg9 : memref<128x32xf32, #tpu.memory_space<vmem>>) dst(%dma_wait3A_90 : memref<128x32xf32, #tpu.memory_space<vmem_shared>>)
      tpu.yield
    }) : () -> ()
    %mul3A_20 = arith.constant 1024 : i32
    %mul3A_21 = arith.muli %arg1, %mul3A_20 : i32
    %add3A_22 = arith.constant 256 : i32
    %add3A_23 = arith.addi %mul3A_21, %add3A_22 : i32
    "tpu.region"() ({
      %run_scoped3A = tpu.sem_alloc : memref<!tpu.dma_semaphore, #tpu.memory_space<semaphore_mem>>
      %dma_start3A_83 = arith.constant 0 : i32
      %dma_start3A_84 = tpu.memref_slice %arg6[%add3A_23, %dma_start3A_83] : memref<16384x32xf32, #tpu.memory_space<vmem_shared>> -> memref<128x32xf32, #tpu.memory_space<vmem_shared>>
      %dma_start3A_85 = arith.constant 0 : i32
      %dma_start3A_86 = tpu.memref_slice %arg6[%add3A_23, %dma_start3A_85] : memref<16384x32xf32, #tpu.memory_space<vmem_shared>> -> memref<128x32xf32, #tpu.memory_space<vmem_shared>>
      tpu.enqueue_dma source(%arg9 : memref<128x32xf32, #tpu.memory_space<vmem>>) target(%dma_start3A_86 : memref<128x32xf32, #tpu.memory_space<vmem_shared>>) target_semaphore(%run_scoped3A : memref<!tpu.dma_semaphore, #tpu.memory_space<semaphore_mem>>)
      %dma_wait3A_87 = arith.constant 0 : i32
      %dma_wait3A_88 = tpu.memref_slice %arg6[%add3A_23, %dma_wait3A_87] : memref<16384x32xf32, #tpu.memory_space<vmem_shared>> -> memref<128x32xf32, #tpu.memory_space<vmem_shared>>
      %dma_wait3A_89 = arith.constant 0 : i32
      %dma_wait3A_90 = tpu.memref_slice %arg6[%add3A_23, %dma_wait3A_89] : memref<16384x32xf32, #tpu.memory_space<vmem_shared>> -> memref<128x32xf32, #tpu.memory_space<vmem_shared>>
      tpu.wait_dma2 semaphore(%run_scoped3A : memref<!tpu.dma_semaphore, #tpu.memory_space<semaphore_mem>>) src(%arg9 : memref<128x32xf32, #tpu.memory_space<vmem>>) dst(%dma_wait3A_90 : memref<128x32xf32, #tpu.memory_space<vmem_shared>>)
      tpu.yield
    }) : () -> ()
    %mul3A_24 = arith.constant 1024 : i32
    %mul3A_25 = arith.muli %arg1, %mul3A_24 : i32
    %add3A_26 = arith.constant 384 : i32
    %add3A_27 = arith.addi %mul3A_25, %add3A_26 : i32
    "tpu.region"() ({
      %run_scoped3A = tpu.sem_alloc : memref<!tpu.dma_semaphore, #tpu.memory_space<semaphore_mem>>
      %dma_start3A_83 = arith.constant 0 : i32
      %dma_start3A_84 = tpu.memref_slice %arg6[%add3A_27, %dma_start3A_83] : memref<16384x32xf32, #tpu.memory_space<vmem_shared>> -> memref<128x32xf32, #tpu.memory_space<vmem_shared>>
      %dma_start3A_85 = arith.constant 0 : i32
      %dma_start3A_86 = tpu.memref_slice %arg6[%add3A_27, %dma_start3A_85] : memref<16384x32xf32, #tpu.memory_space<vmem_shared>> -> memref<128x32xf32, #tpu.memory_space<vmem_shared>>
      tpu.enqueue_dma source(%arg9 : memref<128x32xf32, #tpu.memory_space<vmem>>) target(%dma_start3A_86 : memref<128x32xf32, #tpu.memory_space<vmem_shared>>) target_semaphore(%run_scoped3A : memref<!tpu.dma_semaphore, #tpu.memory_space<semaphore_mem>>)
      %dma_wait3A_87 = arith.constant 0 : i32
      %dma_wait3A_88 = tpu.memref_slice %arg6[%add3A_27, %dma_wait3A_87] : memref<16384x32xf32, #tpu.memory_space<vmem_shared>> -> memref<128x32xf32, #tpu.memory_space<vmem_shared>>
      %dma_wait3A_89 = arith.constant 0 : i32
      %dma_wait3A_90 = tpu.memref_slice %arg6[%add3A_27, %dma_wait3A_89] : memref<16384x32xf32, #tpu.memory_space<vmem_shared>> -> memref<128x32xf32, #tpu.memory_space<vmem_shared>>
      tpu.wait_dma2 semaphore(%run_scoped3A : memref<!tpu.dma_semaphore, #tpu.memory_space<semaphore_mem>>) src(%arg9 : memref<128x32xf32, #tpu.memory_space<vmem>>) dst(%dma_wait3A_90 : memref<128x32xf32, #tpu.memory_space<vmem_shared>>)
      tpu.yield
    }) : () -> ()
    %mul3A_28 = arith.constant 1024 : i32
    %mul3A_29 = arith.muli %arg1, %mul3A_28 : i32
    %add3A_30 = arith.constant 512 : i32
    %add3A_31 = arith.addi %mul3A_29, %add3A_30 : i32
    "tpu.region"() ({
      %run_scoped3A = tpu.sem_alloc : memref<!tpu.dma_semaphore, #tpu.memory_space<semaphore_mem>>
      %dma_start3A_83 = arith.constant 0 : i32
      %dma_start3A_84 = tpu.memref_slice %arg6[%add3A_31, %dma_start3A_83] : memref<16384x32xf32, #tpu.memory_space<vmem_shared>> -> memref<128x32xf32, #tpu.memory_space<vmem_shared>>
      %dma_start3A_85 = arith.constant 0 : i32
      %dma_start3A_86 = tpu.memref_slice %arg6[%add3A_31, %dma_start3A_85] : memref<16384x32xf32, #tpu.memory_space<vmem_shared>> -> memref<128x32xf32, #tpu.memory_space<vmem_shared>>
      tpu.enqueue_dma source(%arg9 : memref<128x32xf32, #tpu.memory_space<vmem>>) target(%dma_start3A_86 : memref<128x32xf32, #tpu.memory_space<vmem_shared>>) target_semaphore(%run_scoped3A : memref<!tpu.dma_semaphore, #tpu.memory_space<semaphore_mem>>)
      %dma_wait3A_87 = arith.constant 0 : i32
      %dma_wait3A_88 = tpu.memref_slice %arg6[%add3A_31, %dma_wait3A_87] : memref<16384x32xf32, #tpu.memory_space<vmem_shared>> -> memref<128x32xf32, #tpu.memory_space<vmem_shared>>
      %dma_wait3A_89 = arith.constant 0 : i32
      %dma_wait3A_90 = tpu.memref_slice %arg6[%add3A_31, %dma_wait3A_89] : memref<16384x32xf32, #tpu.memory_space<vmem_shared>> -> memref<128x32xf32, #tpu.memory_space<vmem_shared>>
      tpu.wait_dma2 semaphore(%run_scoped3A : memref<!tpu.dma_semaphore, #tpu.memory_space<semaphore_mem>>) src(%arg9 : memref<128x32xf32, #tpu.memory_space<vmem>>) dst(%dma_wait3A_90 : memref<128x32xf32, #tpu.memory_space<vmem_shared>>)
      tpu.yield
    }) : () -> ()
    %mul3A_32 = arith.constant 1024 : i32
    %mul3A_33 = arith.muli %arg1, %mul3A_32 : i32
    %add3A_34 = arith.constant 640 : i32
    %add3A_35 = arith.addi %mul3A_33, %add3A_34 : i32
    "tpu.region"() ({
      %run_scoped3A = tpu.sem_alloc : memref<!tpu.dma_semaphore, #tpu.memory_space<semaphore_mem>>
      %dma_start3A_83 = arith.constant 0 : i32
      %dma_start3A_84 = tpu.memref_slice %arg6[%add3A_35, %dma_start3A_83] : memref<16384x32xf32, #tpu.memory_space<vmem_shared>> -> memref<128x32xf32, #tpu.memory_space<vmem_shared>>
      %dma_start3A_85 = arith.constant 0 : i32
      %dma_start3A_86 = tpu.memref_slice %arg6[%add3A_35, %dma_start3A_85] : memref<16384x32xf32, #tpu.memory_space<vmem_shared>> -> memref<128x32xf32, #tpu.memory_space<vmem_shared>>
      tpu.enqueue_dma source(%arg9 : memref<128x32xf32, #tpu.memory_space<vmem>>) target(%dma_start3A_86 : memref<128x32xf32, #tpu.memory_space<vmem_shared>>) target_semaphore(%run_scoped3A : memref<!tpu.dma_semaphore, #tpu.memory_space<semaphore_mem>>)
      %dma_wait3A_87 = arith.constant 0 : i32
      %dma_wait3A_88 = tpu.memref_slice %arg6[%add3A_35, %dma_wait3A_87] : memref<16384x32xf32, #tpu.memory_space<vmem_shared>> -> memref<128x32xf32, #tpu.memory_space<vmem_shared>>
      %dma_wait3A_89 = arith.constant 0 : i32
      %dma_wait3A_90 = tpu.memref_slice %arg6[%add3A_35, %dma_wait3A_89] : memref<16384x32xf32, #tpu.memory_space<vmem_shared>> -> memref<128x32xf32, #tpu.memory_space<vmem_shared>>
      tpu.wait_dma2 semaphore(%run_scoped3A : memref<!tpu.dma_semaphore, #tpu.memory_space<semaphore_mem>>) src(%arg9 : memref<128x32xf32, #tpu.memory_space<vmem>>) dst(%dma_wait3A_90 : memref<128x32xf32, #tpu.memory_space<vmem_shared>>)
      tpu.yield
    }) : () -> ()
    %mul3A_36 = arith.constant 1024 : i32
    %mul3A_37 = arith.muli %arg1, %mul3A_36 : i32
    %add3A_38 = arith.constant 768 : i32
    %add3A_39 = arith.addi %mul3A_37, %add3A_38 : i32
    "tpu.region"() ({
      %run_scoped3A = tpu.sem_alloc : memref<!tpu.dma_semaphore, #tpu.memory_space<semaphore_mem>>
      %dma_start3A_83 = arith.constant 0 : i32
      %dma_start3A_84 = tpu.memref_slice %arg6[%add3A_39, %dma_start3A_83] : memref<16384x32xf32, #tpu.memory_space<vmem_shared>> -> memref<128x32xf32, #tpu.memory_space<vmem_shared>>
      %dma_start3A_85 = arith.constant 0 : i32
      %dma_start3A_86 = tpu.memref_slice %arg6[%add3A_39, %dma_start3A_85] : memref<16384x32xf32, #tpu.memory_space<vmem_shared>> -> memref<128x32xf32, #tpu.memory_space<vmem_shared>>
      tpu.enqueue_dma source(%arg9 : memref<128x32xf32, #tpu.memory_space<vmem>>) target(%dma_start3A_86 : memref<128x32xf32, #tpu.memory_space<vmem_shared>>) target_semaphore(%run_scoped3A : memref<!tpu.dma_semaphore, #tpu.memory_space<semaphore_mem>>)
      %dma_wait3A_87 = arith.constant 0 : i32
      %dma_wait3A_88 = tpu.memref_slice %arg6[%add3A_39, %dma_wait3A_87] : memref<16384x32xf32, #tpu.memory_space<vmem_shared>> -> memref<128x32xf32, #tpu.memory_space<vmem_shared>>
      %dma_wait3A_89 = arith.constant 0 : i32
      %dma_wait3A_90 = tpu.memref_slice %arg6[%add3A_39, %dma_wait3A_89] : memref<16384x32xf32, #tpu.memory_space<vmem_shared>> -> memref<128x32xf32, #tpu.memory_space<vmem_shared>>
      tpu.wait_dma2 semaphore(%run_scoped3A : memref<!tpu.dma_semaphore, #tpu.memory_space<semaphore_mem>>) src(%arg9 : memref<128x32xf32, #tpu.memory_space<vmem>>) dst(%dma_wait3A_90 : memref<128x32xf32, #tpu.memory_space<vmem_shared>>)
      tpu.yield
    }) : () -> ()
    %mul3A_40 = arith.constant 1024 : i32
    %mul3A_41 = arith.muli %arg1, %mul3A_40 : i32
    %add3A_42 = arith.constant 896 : i32
    %add3A_43 = arith.addi %mul3A_41, %add3A_42 : i32
    "tpu.region"() ({
      %run_scoped3A = tpu.sem_alloc : memref<!tpu.dma_semaphore, #tpu.memory_space<semaphore_mem>>
      %dma_start3A_83 = arith.constant 0 : i32
      %dma_start3A_84 = tpu.memref_slice %arg6[%add3A_43, %dma_start3A_83] : memref<16384x32xf32, #tpu.memory_space<vmem_shared>> -> memref<128x32xf32, #tpu.memory_space<vmem_shared>>
      %dma_start3A_85 = arith.constant 0 : i32
      %dma_start3A_86 = tpu.memref_slice %arg6[%add3A_43, %dma_start3A_85] : memref<16384x32xf32, #tpu.memory_space<vmem_shared>> -> memref<128x32xf32, #tpu.memory_space<vmem_shared>>
      tpu.enqueue_dma source(%arg9 : memref<128x32xf32, #tpu.memory_space<vmem>>) target(%dma_start3A_86 : memref<128x32xf32, #tpu.memory_space<vmem_shared>>) target_semaphore(%run_scoped3A : memref<!tpu.dma_semaphore, #tpu.memory_space<semaphore_mem>>)
      %dma_wait3A_87 = arith.constant 0 : i32
      %dma_wait3A_88 = tpu.memref_slice %arg6[%add3A_43, %dma_wait3A_87] : memref<16384x32xf32, #tpu.memory_space<vmem_shared>> -> memref<128x32xf32, #tpu.memory_space<vmem_shared>>
      %dma_wait3A_89 = arith.constant 0 : i32
      %dma_wait3A_90 = tpu.memref_slice %arg6[%add3A_43, %dma_wait3A_89] : memref<16384x32xf32, #tpu.memory_space<vmem_shared>> -> memref<128x32xf32, #tpu.memory_space<vmem_shared>>
      tpu.wait_dma2 semaphore(%run_scoped3A : memref<!tpu.dma_semaphore, #tpu.memory_space<semaphore_mem>>) src(%arg9 : memref<128x32xf32, #tpu.memory_space<vmem>>) dst(%dma_wait3A_90 : memref<128x32xf32, #tpu.memory_space<vmem_shared>>)
      tpu.yield
    }) : () -> ()
    %add3A_44 = arith.constant 0 : i32
    %add3A_45 = arith.addi %add3A, %add3A_44 : i32
    %dma_start3A = tpu.memref_slice %arg2[%add3A_45] : memref<1638400xi32, #tpu.memory_space<hbm>> -> memref<128xi32, #tpu.memory_space<hbm>>
    %dma_start3A_46 = tpu.memref_slice %arg2[%add3A_45] : memref<1638400xi32, #tpu.memory_space<hbm>> -> memref<128xi32, #tpu.memory_space<hbm>>
    tpu.enqueue_dma source(%dma_start3A_46 : memref<128xi32, #tpu.memory_space<hbm>>) target(%arg7 : memref<128xi32, #tpu.memory_space<vmem>>) target_semaphore(%arg15 : memref<!tpu.dma_semaphore, #tpu.memory_space<semaphore_mem>>)
    %add3A_47 = arith.constant 0 : i32
    %add3A_48 = arith.addi %mul3A_4, %add3A_47 : i32
    %dma_start3A_49 = tpu.memref_slice %arg3[%add3A_48] : memref<819200xi32, #tpu.memory_space<hbm>> -> memref<128xi32, #tpu.memory_space<hbm>>
    %dma_start3A_50 = tpu.memref_slice %arg3[%add3A_48] : memref<819200xi32, #tpu.memory_space<hbm>> -> memref<128xi32, #tpu.memory_space<hbm>>
    tpu.enqueue_dma source(%dma_start3A_50 : memref<128xi32, #tpu.memory_space<hbm>>) target(%arg11 : memref<128xi32, #tpu.memory_space<vmem>>) target_semaphore(%arg17 : memref<!tpu.dma_semaphore, #tpu.memory_space<semaphore_mem>>)
    %add3A_51 = arith.constant 128 : i32
    %add3A_52 = arith.addi %add3A, %add3A_51 : i32
    %dma_start3A_53 = tpu.memref_slice %arg2[%add3A_52] : memref<1638400xi32, #tpu.memory_space<hbm>> -> memref<128xi32, #tpu.memory_space<hbm>>
    %dma_start3A_54 = tpu.memref_slice %arg2[%add3A_52] : memref<1638400xi32, #tpu.memory_space<hbm>> -> memref<128xi32, #tpu.memory_space<hbm>>
    tpu.enqueue_dma source(%dma_start3A_54 : memref<128xi32, #tpu.memory_space<hbm>>) target(%arg8 : memref<128xi32, #tpu.memory_space<vmem>>) target_semaphore(%arg16 : memref<!tpu.dma_semaphore, #tpu.memory_space<semaphore_mem>>)
    %add3A_55 = arith.constant 128 : i32
    %add3A_56 = arith.addi %mul3A_4, %add3A_55 : i32
    %dma_start3A_57 = tpu.memref_slice %arg3[%add3A_56] : memref<819200xi32, #tpu.memory_space<hbm>> -> memref<128xi32, #tpu.memory_space<hbm>>
    %dma_start3A_58 = tpu.memref_slice %arg3[%add3A_56] : memref<819200xi32, #tpu.memory_space<hbm>> -> memref<128xi32, #tpu.memory_space<hbm>>
    tpu.enqueue_dma source(%dma_start3A_58 : memref<128xi32, #tpu.memory_space<hbm>>) target(%arg12 : memref<128xi32, #tpu.memory_space<vmem>>) target_semaphore(%arg18 : memref<!tpu.dma_semaphore, #tpu.memory_space<semaphore_mem>>)
    %add3A_59 = arith.constant 0 : i32
    %add3A_60 = arith.addi %add3A, %add3A_59 : i32
    %dma_wait3A = tpu.memref_slice %arg2[%add3A_60] : memref<1638400xi32, #tpu.memory_space<hbm>> -> memref<128xi32, #tpu.memory_space<hbm>>
    %dma_wait3A_61 = tpu.memref_slice %arg2[%add3A_60] : memref<1638400xi32, #tpu.memory_space<hbm>> -> memref<128xi32, #tpu.memory_space<hbm>>
    tpu.wait_dma2 semaphore(%arg15 : memref<!tpu.dma_semaphore, #tpu.memory_space<semaphore_mem>>) src(%dma_wait3A_61 : memref<128xi32, #tpu.memory_space<hbm>>) dst(%arg7 : memref<128xi32, #tpu.memory_space<vmem>>)
    %add3A_62 = arith.constant 0 : i32
    %add3A_63 = arith.addi %mul3A_4, %add3A_62 : i32
    %dma_wait3A_64 = tpu.memref_slice %arg3[%add3A_63] : memref<819200xi32, #tpu.memory_space<hbm>> -> memref<128xi32, #tpu.memory_space<hbm>>
    %dma_wait3A_65 = tpu.memref_slice %arg3[%add3A_63] : memref<819200xi32, #tpu.memory_space<hbm>> -> memref<128xi32, #tpu.memory_space<hbm>>
    tpu.wait_dma2 semaphore(%arg17 : memref<!tpu.dma_semaphore, #tpu.memory_space<semaphore_mem>>) src(%dma_wait3A_65 : memref<128xi32, #tpu.memory_space<hbm>>) dst(%arg11 : memref<128xi32, #tpu.memory_space<vmem>>)
    %dma_start3A_66 = arith.constant 0 : i32
    %dma_start3A_67 = arith.constant 0 : i32
    %dma_start3A_68 = tpu.memref_slice %arg4[%dma_start3A_66, %dma_start3A_67] : memref<1000000x32xf32, #tpu.memory_space<hbm>> -> memref<1000000x32xf32, #tpu.memory_space<hbm>>
    tpu.enqueue_indirect_dma source(%dma_start3A_68 : memref<1000000x32xf32, #tpu.memory_space<hbm>>) target(%arg9 : memref<128x32xf32, #tpu.memory_space<vmem>>) offsets(%arg7 : memref<128xi32, #tpu.memory_space<vmem>>) semaphore(%arg13 : memref<!tpu.dma_semaphore, #tpu.memory_space<semaphore_mem>>)
    %scan3A_69 = arith.constant 0 : i32
    %scan3A_70 = arith.constant 0 : i32
    %scan3A_71 = arith.constant 200 : i32
    %scan3A_72 = arith.addi %scan3A_70, %scan3A_71 : i32
    %scan3A_73 = arith.constant 1 : i32
    %scan3A_74 = scf.for %scan3A_83 = %scan3A_70 to %scan3A_72 step %scan3A_73 iter_args(%scan3A_84 = %scan3A_69) -> (i32)  : i32 {
      %mul3A_85 = arith.constant 2 : i32
      %mul3A_86 = arith.muli %mul3A_85, %scan3A_83 : i32
      %add3A_87 = arith.constant 0 : i32
      %add3A_88 = arith.addi %mul3A_86, %add3A_87 : i32
      %dma_wait3A_89 = arith.constant 0 : i32
      %dma_wait3A_90 = arith.constant 0 : i32
      %dma_wait3A_91 = tpu.memref_slice %arg4[%dma_wait3A_89, %dma_wait3A_90] : memref<1000000x32xf32, #tpu.memory_space<hbm>> -> memref<1000000x32xf32, #tpu.memory_space<hbm>>
      tpu.wait_indirect_dma semaphore(%arg13 : memref<!tpu.dma_semaphore, #tpu.memory_space<semaphore_mem>>) src(%dma_wait3A_91 : memref<1000000x32xf32, #tpu.memory_space<hbm>>) dst(%arg9 : memref<128x32xf32, #tpu.memory_space<vmem>>)
      %add3A_92 = arith.constant 1 : i32
      %add3A_93 = arith.addi %add3A_88, %add3A_92 : i32
      %lt3A = arith.constant 400 : i32
      %lt3A_94 = arith.cmpi slt, %add3A_93, %lt3A : i32
      %convert_element_type3A = arith.extui %lt3A_94 : i1 to i32
      %cond3A = arith.constant 0 : i32
      %cond3A_95 = arith.cmpi ne, %convert_element_type3A, %cond3A : i32
      scf.if %cond3A_95 {
        %add3A_123 = arith.constant 1 : i32
        %add3A_124 = arith.addi %add3A_88, %add3A_123 : i32
        %mul3A_125 = arith.constant 128 : i32
        %mul3A_126 = arith.muli %add3A_124, %mul3A_125 : i32
        %add3A_127 = arith.addi %add3A, %mul3A_126 : i32
        %dma_wait3A_128 = tpu.memref_slice %arg2[%add3A_127] : memref<1638400xi32, #tpu.memory_space<hbm>> -> memref<128xi32, #tpu.memory_space<hbm>>
        %dma_wait3A_129 = tpu.memref_slice %arg2[%add3A_127] : memref<1638400xi32, #tpu.memory_space<hbm>> -> memref<128xi32, #tpu.memory_space<hbm>>
        tpu.wait_dma2 semaphore(%arg16 : memref<!tpu.dma_semaphore, #tpu.memory_space<semaphore_mem>>) src(%dma_wait3A_129 : memref<128xi32, #tpu.memory_space<hbm>>) dst(%arg8 : memref<128xi32, #tpu.memory_space<vmem>>)
        %mul3A_130 = arith.constant 128 : i32
        %mul3A_131 = arith.muli %add3A_124, %mul3A_130 : i32
        %add3A_132 = arith.addi %mul3A_4, %mul3A_131 : i32
        %dma_wait3A_133 = tpu.memref_slice %arg3[%add3A_132] : memref<819200xi32, #tpu.memory_space<hbm>> -> memref<128xi32, #tpu.memory_space<hbm>>
        %dma_wait3A_134 = tpu.memref_slice %arg3[%add3A_132] : memref<819200xi32, #tpu.memory_space<hbm>> -> memref<128xi32, #tpu.memory_space<hbm>>
        tpu.wait_dma2 semaphore(%arg18 : memref<!tpu.dma_semaphore, #tpu.memory_space<semaphore_mem>>) src(%dma_wait3A_134 : memref<128xi32, #tpu.memory_space<hbm>>) dst(%arg12 : memref<128xi32, #tpu.memory_space<vmem>>)
        %dma_start3A_135 = arith.constant 0 : i32
        %dma_start3A_136 = arith.constant 0 : i32
        %dma_start3A_137 = tpu.memref_slice %arg4[%dma_start3A_135, %dma_start3A_136] : memref<1000000x32xf32, #tpu.memory_space<hbm>> -> memref<1000000x32xf32, #tpu.memory_space<hbm>>
        tpu.enqueue_indirect_dma source(%dma_start3A_137 : memref<1000000x32xf32, #tpu.memory_space<hbm>>) target(%arg10 : memref<128x32xf32, #tpu.memory_space<vmem>>) offsets(%arg8 : memref<128xi32, #tpu.memory_space<vmem>>) semaphore(%arg14 : memref<!tpu.dma_semaphore, #tpu.memory_space<semaphore_mem>>)
      } else {
      }
      "tpu.region"() ({
        %run_scoped3A = tpu.sem_alloc : memref<!tpu.dma_semaphore, #tpu.memory_space<semaphore_mem>>
        %dma_start3A_123 = arith.constant 0 : i32
        %dma_start3A_124 = arith.constant 0 : i32
        %dma_start3A_125 = tpu.memref_slice %arg6[%dma_start3A_123, %dma_start3A_124] : memref<16384x32xf32, #tpu.memory_space<vmem_shared>> -> memref<16384x32xf32, #tpu.memory_space<vmem_shared>>
        tpu.enqueue_indirect_dma source(%arg9 : memref<128x32xf32, #tpu.memory_space<vmem>>) target(%dma_start3A_125 : memref<16384x32xf32, #tpu.memory_space<vmem_shared>>) offsets(%arg11 : memref<128xi32, #tpu.memory_space<vmem>>) semaphore(%run_scoped3A : memref<!tpu.dma_semaphore, #tpu.memory_space<semaphore_mem>>) {add = true}
        %dma_wait3A_126 = arith.constant 0 : i32
        %dma_wait3A_127 = arith.constant 0 : i32
        %dma_wait3A_128 = tpu.memref_slice %arg6[%dma_wait3A_126, %dma_wait3A_127] : memref<16384x32xf32, #tpu.memory_space<vmem_shared>> -> memref<16384x32xf32, #tpu.memory_space<vmem_shared>>
        tpu.wait_indirect_dma semaphore(%run_scoped3A : memref<!tpu.dma_semaphore, #tpu.memory_space<semaphore_mem>>) src(%arg9 : memref<128x32xf32, #tpu.memory_space<vmem>>) dst(%dma_wait3A_128 : memref<16384x32xf32, #tpu.memory_space<vmem_shared>>)
        tpu.yield
      }) : () -> ()
      %add3A_96 = arith.constant 2 : i32
      %add3A_97 = arith.addi %add3A_88, %add3A_96 : i32
      %lt3A_98 = arith.constant 400 : i32
      %lt3A_99 = arith.cmpi slt, %add3A_97, %lt3A_98 : i32
      %convert_element_type3A_100 = arith.extui %lt3A_99 : i1 to i32
      %cond3A_101 = arith.constant 0 : i32
      %cond3A_102 = arith.cmpi ne, %convert_element_type3A_100, %cond3A_101 : i32
      scf.if %cond3A_102 {
        %add3A_123 = arith.constant 2 : i32
        %add3A_124 = arith.addi %add3A_88, %add3A_123 : i32
        %mul3A_125 = arith.constant 128 : i32
        %mul3A_126 = arith.muli %add3A_124, %mul3A_125 : i32
        %add3A_127 = arith.addi %add3A, %mul3A_126 : i32
        %dma_start3A_128 = tpu.memref_slice %arg2[%add3A_127] : memref<1638400xi32, #tpu.memory_space<hbm>> -> memref<128xi32, #tpu.memory_space<hbm>>
        %dma_start3A_129 = tpu.memref_slice %arg2[%add3A_127] : memref<1638400xi32, #tpu.memory_space<hbm>> -> memref<128xi32, #tpu.memory_space<hbm>>
        tpu.enqueue_dma source(%dma_start3A_129 : memref<128xi32, #tpu.memory_space<hbm>>) target(%arg7 : memref<128xi32, #tpu.memory_space<vmem>>) target_semaphore(%arg15 : memref<!tpu.dma_semaphore, #tpu.memory_space<semaphore_mem>>)
        %mul3A_130 = arith.constant 128 : i32
        %mul3A_131 = arith.muli %add3A_124, %mul3A_130 : i32
        %add3A_132 = arith.addi %mul3A_4, %mul3A_131 : i32
        %dma_start3A_133 = tpu.memref_slice %arg3[%add3A_132] : memref<819200xi32, #tpu.memory_space<hbm>> -> memref<128xi32, #tpu.memory_space<hbm>>
        %dma_start3A_134 = tpu.memref_slice %arg3[%add3A_132] : memref<819200xi32, #tpu.memory_space<hbm>> -> memref<128xi32, #tpu.memory_space<hbm>>
        tpu.enqueue_dma source(%dma_start3A_134 : memref<128xi32, #tpu.memory_space<hbm>>) target(%arg11 : memref<128xi32, #tpu.memory_space<vmem>>) target_semaphore(%arg17 : memref<!tpu.dma_semaphore, #tpu.memory_space<semaphore_mem>>)
      } else {
      }
      %add3A_103 = arith.constant 1 : i32
      %add3A_104 = arith.addi %mul3A_86, %add3A_103 : i32
      %dma_wait3A_105 = arith.constant 0 : i32
      %dma_wait3A_106 = arith.constant 0 : i32
      %dma_wait3A_107 = tpu.memref_slice %arg4[%dma_wait3A_105, %dma_wait3A_106] : memref<1000000x32xf32, #tpu.memory_space<hbm>> -> memref<1000000x32xf32, #tpu.memory_space<hbm>>
      tpu.wait_indirect_dma semaphore(%arg14 : memref<!tpu.dma_semaphore, #tpu.memory_space<semaphore_mem>>) src(%dma_wait3A_107 : memref<1000000x32xf32, #tpu.memory_space<hbm>>) dst(%arg10 : memref<128x32xf32, #tpu.memory_space<vmem>>)
      %add3A_108 = arith.constant 1 : i32
      %add3A_109 = arith.addi %add3A_104, %add3A_108 : i32
      %lt3A_110 = arith.constant 400 : i32
      %lt3A_111 = arith.cmpi slt, %add3A_109, %lt3A_110 : i32
      %convert_element_type3A_112 = arith.extui %lt3A_111 : i1 to i32
      %cond3A_113 = arith.constant 0 : i32
      %cond3A_114 = arith.cmpi ne, %convert_element_type3A_112, %cond3A_113 : i32
      scf.if %cond3A_114 {
        %add3A_123 = arith.constant 1 : i32
        %add3A_124 = arith.addi %add3A_104, %add3A_123 : i32
        %mul3A_125 = arith.constant 128 : i32
        %mul3A_126 = arith.muli %add3A_124, %mul3A_125 : i32
        %add3A_127 = arith.addi %add3A, %mul3A_126 : i32
        %dma_wait3A_128 = tpu.memref_slice %arg2[%add3A_127] : memref<1638400xi32, #tpu.memory_space<hbm>> -> memref<128xi32, #tpu.memory_space<hbm>>
        %dma_wait3A_129 = tpu.memref_slice %arg2[%add3A_127] : memref<1638400xi32, #tpu.memory_space<hbm>> -> memref<128xi32, #tpu.memory_space<hbm>>
        tpu.wait_dma2 semaphore(%arg15 : memref<!tpu.dma_semaphore, #tpu.memory_space<semaphore_mem>>) src(%dma_wait3A_129 : memref<128xi32, #tpu.memory_space<hbm>>) dst(%arg7 : memref<128xi32, #tpu.memory_space<vmem>>)
        %mul3A_130 = arith.constant 128 : i32
        %mul3A_131 = arith.muli %add3A_124, %mul3A_130 : i32
        %add3A_132 = arith.addi %mul3A_4, %mul3A_131 : i32
        %dma_wait3A_133 = tpu.memref_slice %arg3[%add3A_132] : memref<819200xi32, #tpu.memory_space<hbm>> -> memref<128xi32, #tpu.memory_space<hbm>>
        %dma_wait3A_134 = tpu.memref_slice %arg3[%add3A_132] : memref<819200xi32, #tpu.memory_space<hbm>> -> memref<128xi32, #tpu.memory_space<hbm>>
        tpu.wait_dma2 semaphore(%arg17 : memref<!tpu.dma_semaphore, #tpu.memory_space<semaphore_mem>>) src(%dma_wait3A_134 : memref<128xi32, #tpu.memory_space<hbm>>) dst(%arg11 : memref<128xi32, #tpu.memory_space<vmem>>)
        %dma_start3A_135 = arith.constant 0 : i32
        %dma_start3A_136 = arith.constant 0 : i32
        %dma_start3A_137 = tpu.memref_slice %arg4[%dma_start3A_135, %dma_start3A_136] : memref<1000000x32xf32, #tpu.memory_space<hbm>> -> memref<1000000x32xf32, #tpu.memory_space<hbm>>
        tpu.enqueue_indirect_dma source(%dma_start3A_137 : memref<1000000x32xf32, #tpu.memory_space<hbm>>) target(%arg9 : memref<128x32xf32, #tpu.memory_space<vmem>>) offsets(%arg7 : memref<128xi32, #tpu.memory_space<vmem>>) semaphore(%arg13 : memref<!tpu.dma_semaphore, #tpu.memory_space<semaphore_mem>>)
      } else {
      }
      "tpu.region"() ({
        %run_scoped3A = tpu.sem_alloc : memref<!tpu.dma_semaphore, #tpu.memory_space<semaphore_mem>>
        %dma_start3A_123 = arith.constant 0 : i32
        %dma_start3A_124 = arith.constant 0 : i32
        %dma_start3A_125 = tpu.memref_slice %arg6[%dma_start3A_123, %dma_start3A_124] : memref<16384x32xf32, #tpu.memory_space<vmem_shared>> -> memref<16384x32xf32, #tpu.memory_space<vmem_shared>>
        tpu.enqueue_indirect_dma source(%arg10 : memref<128x32xf32, #tpu.memory_space<vmem>>) target(%dma_start3A_125 : memref<16384x32xf32, #tpu.memory_space<vmem_shared>>) offsets(%arg12 : memref<128xi32, #tpu.memory_space<vmem>>) semaphore(%run_scoped3A : memref<!tpu.dma_semaphore, #tpu.memory_space<semaphore_mem>>) {add = true}
        %dma_wait3A_126 = arith.constant 0 : i32
        %dma_wait3A_127 = arith.constant 0 : i32
        %dma_wait3A_128 = tpu.memref_slice %arg6[%dma_wait3A_126, %dma_wait3A_127] : memref<16384x32xf32, #tpu.memory_space<vmem_shared>> -> memref<16384x32xf32, #tpu.memory_space<vmem_shared>>
        tpu.wait_indirect_dma semaphore(%run_scoped3A : memref<!tpu.dma_semaphore, #tpu.memory_space<semaphore_mem>>) src(%arg10 : memref<128x32xf32, #tpu.memory_space<vmem>>) dst(%dma_wait3A_128 : memref<16384x32xf32, #tpu.memory_space<vmem_shared>>)
        tpu.yield
      }) : () -> ()
      %add3A_115 = arith.constant 2 : i32
      %add3A_116 = arith.addi %add3A_104, %add3A_115 : i32
      %lt3A_117 = arith.constant 400 : i32
      %lt3A_118 = arith.cmpi slt, %add3A_116, %lt3A_117 : i32
      %convert_element_type3A_119 = arith.extui %lt3A_118 : i1 to i32
      %cond3A_120 = arith.constant 0 : i32
      %cond3A_121 = arith.cmpi ne, %convert_element_type3A_119, %cond3A_120 : i32
      scf.if %cond3A_121 {
        %add3A_123 = arith.constant 2 : i32
        %add3A_124 = arith.addi %add3A_104, %add3A_123 : i32
        %mul3A_125 = arith.constant 128 : i32
        %mul3A_126 = arith.muli %add3A_124, %mul3A_125 : i32
        %add3A_127 = arith.addi %add3A, %mul3A_126 : i32
        %dma_start3A_128 = tpu.memref_slice %arg2[%add3A_127] : memref<1638400xi32, #tpu.memory_space<hbm>> -> memref<128xi32, #tpu.memory_space<hbm>>
        %dma_start3A_129 = tpu.memref_slice %arg2[%add3A_127] : memref<1638400xi32, #tpu.memory_space<hbm>> -> memref<128xi32, #tpu.memory_space<hbm>>
        tpu.enqueue_dma source(%dma_start3A_129 : memref<128xi32, #tpu.memory_space<hbm>>) target(%arg8 : memref<128xi32, #tpu.memory_space<vmem>>) target_semaphore(%arg16 : memref<!tpu.dma_semaphore, #tpu.memory_space<semaphore_mem>>)
        %mul3A_130 = arith.constant 128 : i32
        %mul3A_131 = arith.muli %add3A_124, %mul3A_130 : i32
        %add3A_132 = arith.addi %mul3A_4, %mul3A_131 : i32
        %dma_start3A_133 = tpu.memref_slice %arg3[%add3A_132] : memref<819200xi32, #tpu.memory_space<hbm>> -> memref<128xi32, #tpu.memory_space<hbm>>
        %dma_start3A_134 = tpu.memref_slice %arg3[%add3A_132] : memref<819200xi32, #tpu.memory_space<hbm>> -> memref<128xi32, #tpu.memory_space<hbm>>
        tpu.enqueue_dma source(%dma_start3A_134 : memref<128xi32, #tpu.memory_space<hbm>>) target(%arg12 : memref<128xi32, #tpu.memory_space<vmem>>) target_semaphore(%arg18 : memref<!tpu.dma_semaphore, #tpu.memory_space<semaphore_mem>>)
      } else {
      }
      %scan3A_122 = arith.constant 0 : i32
      scf.yield %scan3A_122 : i32
    }
    %scan3A_75 = arith.constant 200 : i32
    %mul3A_76 = arith.constant 1024 : i32
    %mul3A_77 = arith.muli %arg1, %mul3A_76 : i32
    %mul3A_78 = arith.constant 16384 : i32
    %mul3A_79 = arith.muli %arg0, %mul3A_78 : i32
    %mul3A_80 = arith.constant 1024 : i32
    %mul3A_81 = arith.muli %arg1, %mul3A_80 : i32
    %add3A_82 = arith.addi %mul3A_79, %mul3A_81 : i32
    "tpu.region"() ({
      %run_scoped3A = tpu.sem_alloc : memref<!tpu.dma_semaphore, #tpu.memory_space<semaphore_mem>>
      %dma_start3A_83 = arith.constant 0 : i32
      %dma_start3A_84 = tpu.memref_slice %arg5[%add3A_82, %dma_start3A_83] : memref<32768x32xf32, #tpu.memory_space<hbm>> -> memref<1024x32xf32, #tpu.memory_space<hbm>>
      %dma_start3A_85 = arith.constant 0 : i32
      %dma_start3A_86 = tpu.memref_slice %arg6[%mul3A_77, %dma_start3A_85] : memref<16384x32xf32, #tpu.memory_space<vmem_shared>> -> memref<1024x32xf32, #tpu.memory_space<vmem_shared>>
      tpu.enqueue_dma source(%dma_start3A_86 : memref<1024x32xf32, #tpu.memory_space<vmem_shared>>) target(%dma_start3A_84 : memref<1024x32xf32, #tpu.memory_space<hbm>>) target_semaphore(%run_scoped3A : memref<!tpu.dma_semaphore, #tpu.memory_space<semaphore_mem>>)
      %dma_wait3A_87 = arith.constant 0 : i32
      %dma_wait3A_88 = tpu.memref_slice %arg5[%add3A_82, %dma_wait3A_87] : memref<32768x32xf32, #tpu.memory_space<hbm>> -> memref<1024x32xf32, #tpu.memory_space<hbm>>
      %dma_wait3A_89 = arith.constant 0 : i32
      %dma_wait3A_90 = tpu.memref_slice %arg6[%mul3A_77, %dma_wait3A_89] : memref<16384x32xf32, #tpu.memory_space<vmem_shared>> -> memref<1024x32xf32, #tpu.memory_space<vmem_shared>>
      tpu.wait_dma2 semaphore(%run_scoped3A : memref<!tpu.dma_semaphore, #tpu.memory_space<semaphore_mem>>) src(%dma_wait3A_90 : memref<1024x32xf32, #tpu.memory_space<vmem_shared>>) dst(%dma_wait3A_88 : memref<1024x32xf32, #tpu.memory_space<hbm>>)
      tpu.yield
    }) : () -> ()
    return
  }
}

module attributes {stable_mosaic.version = 14 : i64} {
  func.func @body(%arg0: i32, %arg1: memref<2048x32xf32, #tpu.memory_space<vmem>>, %arg2: memref<2048x32xf32, #tpu.memory_space<vmem>>, %arg3: memref<2048x1xi32, #tpu.memory_space<vmem>>, %arg4: memref<2048x1xi32, #tpu.memory_space<vmem>>, %arg5: memref<2x64xf32, #tpu.memory_space<vmem>>, %arg6: memref<1x2xf32, #tpu.memory_space<vmem>>, %arg7: memref<2048x2xf32, #tpu.memory_space<vmem>>) attributes {dimension_semantics = [#tpu.dimension_semantics<arbitrary>], iteration_bounds = array<i64: 8>, scalar_prefetch = 0 : i64, scratch_operands = 0 : i64, tpu.core_type = #tpu.core_type<tc>, window_params = [{transform_indices = @transform_0, window_bounds = array<i64: 2048, 32>}, {transform_indices = @transform_1, window_bounds = array<i64: 2048, 32>}, {transform_indices = @transform_2, window_bounds = array<i64: 2048, 1>}, {transform_indices = @transform_3, window_bounds = array<i64: 2048, 1>}, {pipeline_mode = #tpu.pipeline_mode<synchronous>, transform_indices = @transform_4, window_bounds = array<i64: 2, 64>}, {pipeline_mode = #tpu.pipeline_mode<synchronous>, transform_indices = @transform_5, window_bounds = array<i64: 1, 2>}, {transform_indices = @transform_6, window_bounds = array<i64: 2048, 2>}]} {
    %get3A = arith.constant 0 : index
    %get3A_0 = arith.constant 0 : index
    %get3A_1 = vector.load %arg3[%get3A, %get3A_0] : memref<2048x1xi32, #tpu.memory_space<vmem>>, vector<2048x1xi32>
    %convert_element_type3A = arith.sitofp %get3A_1 : vector<2048x1xi32> to vector<2048x1xf32>
    %get3A_2 = arith.constant 0 : index
    %get3A_3 = arith.constant 0 : index
    %get3A_4 = vector.load %arg4[%get3A_2, %get3A_3] : memref<2048x1xi32, #tpu.memory_space<vmem>>, vector<2048x1xi32>
    %convert_element_type3A_5 = arith.sitofp %get3A_4 : vector<2048x1xi32> to vector<2048x1xf32>
    %get3A_6 = arith.constant 0 : index
    %get3A_7 = arith.constant 0 : index
    %get3A_8 = vector.load %arg1[%get3A_6, %get3A_7] : memref<2048x32xf32, #tpu.memory_space<vmem>>, vector<2048x32xf32>
    %div3A = vector.broadcast %convert_element_type3A : vector<2048x1xf32> to vector<2048x32xf32>
    %div3A_9 = arith.divf %get3A_8, %div3A : vector<2048x32xf32>
    %get3A_10 = arith.constant 0 : index
    %get3A_11 = arith.constant 0 : index
    %get3A_12 = vector.load %arg2[%get3A_10, %get3A_11] : memref<2048x32xf32, #tpu.memory_space<vmem>>, vector<2048x32xf32>
    %div3A_13 = vector.broadcast %convert_element_type3A_5 : vector<2048x1xf32> to vector<2048x32xf32>
    %div3A_14 = arith.divf %get3A_12, %div3A_13 : vector<2048x32xf32>
    %concatenate3A = tpu.concatenate %div3A_9, %div3A_14 in 1 : vector<2048x32xf32>, vector<2048x32xf32> -> vector<2048x64xf32>
    %get3A_15 = arith.constant 0 : index
    %get3A_16 = arith.constant 0 : index
    %get3A_17 = vector.load %arg5[%get3A_15, %get3A_16] : memref<2x64xf32, #tpu.memory_space<vmem>>, vector<2x64xf32>
    %dot_general3A = arith.constant dense<0.000000e+00> : vector<2048x2xf32>
    %dot_general3A_18 = tpu.matmul %concatenate3A, %get3A_17, %dot_general3A {dimension_numbers = #tpu.dot_dimension_numbers<[1], [1], [0], [0], [0, 0, 1, 0], [], []>, transpose_lhs_hint = false} : vector<2048x64xf32>, vector<2x64xf32>, vector<2048x2xf32> -> vector<2048x2xf32>
    %get3A_19 = arith.constant 0 : index
    %get3A_20 = arith.constant 0 : index
    %get3A_21 = vector.load %arg6[%get3A_19, %get3A_20] : memref<1x2xf32, #tpu.memory_space<vmem>>, vector<1x2xf32>
    %add3A = vector.broadcast %get3A_21 : vector<1x2xf32> to vector<2048x2xf32>
    %add3A_22 = arith.addf %dot_general3A_18, %add3A : vector<2048x2xf32>
    %reduce_max3A = arith.constant dense<0xFF800000> : vector<2048xf32>
    %reduce_max3A_23 = vector.multi_reduction <maximumf>, %add3A_22, %reduce_max3A [1] : vector<2048x2xf32> to vector<2048xf32>
    %broadcast_in_dim3A = vector.shape_cast %reduce_max3A_23 : vector<2048xf32> to vector<2048x1xf32>
    %sub3A = vector.broadcast %broadcast_in_dim3A : vector<2048x1xf32> to vector<2048x2xf32>
    %sub3A_24 = arith.subf %add3A_22, %sub3A : vector<2048x2xf32>
    %exp3A = math.exp %sub3A_24 : vector<2048x2xf32>
    %reduce_sum3A = arith.constant dense<0.000000e+00> : vector<2048xf32>
    %reduce_sum3A_25 = vector.multi_reduction <add>, %exp3A, %reduce_sum3A [1] : vector<2048x2xf32> to vector<2048xf32>
    %broadcast_in_dim3A_26 = vector.shape_cast %reduce_sum3A_25 : vector<2048xf32> to vector<2048x1xf32>
    %log3A = math.log %broadcast_in_dim3A_26 : vector<2048x1xf32>
    %add3A_27 = arith.addf %log3A, %broadcast_in_dim3A : vector<2048x1xf32>
    %sub3A_28 = vector.broadcast %add3A_27 : vector<2048x1xf32> to vector<2048x2xf32>
    %sub3A_29 = arith.subf %add3A_22, %sub3A_28 : vector<2048x2xf32>
    %swap3A = arith.constant 0 : index
    %swap3A_30 = arith.constant 0 : index
    %swap3A_31 = vector.load %arg7[%swap3A, %swap3A_30] : memref<2048x2xf32, #tpu.memory_space<vmem>>, vector<2048x2xf32>
    tpu.vector_store %arg7[%swap3A, %swap3A_30], %sub3A_29 {strides = array<i32>} : memref<2048x2xf32, #tpu.memory_space<vmem>>, vector<2048x2xf32>,
    return
  }
  func.func @transform_0(%arg0: i32) -> (i32, i32) {
    %c0_i32 = arith.constant 0 : i32
    %c0_i32_0 = arith.constant 0 : i32
    return %arg0, %c0_i32 : i32, i32
  }
  func.func @transform_1(%arg0: i32) -> (i32, i32) {
    %c0_i32 = arith.constant 0 : i32
    %c0_i32_0 = arith.constant 0 : i32
    return %arg0, %c0_i32 : i32, i32
  }
  func.func @transform_2(%arg0: i32) -> (i32, i32) {
    %c0_i32 = arith.constant 0 : i32
    %c0_i32_0 = arith.constant 0 : i32
    return %arg0, %c0_i32 : i32, i32
  }
  func.func @transform_3(%arg0: i32) -> (i32, i32) {
    %c0_i32 = arith.constant 0 : i32
    %c0_i32_0 = arith.constant 0 : i32
    return %arg0, %c0_i32 : i32, i32
  }
  func.func @transform_4(%arg0: i32) -> (i32, i32) {
    %c0_i32 = arith.constant 0 : i32
    %c0_i32_0 = arith.constant 0 : i32
    %c0_i32_1 = arith.constant 0 : i32
    return %c0_i32, %c0_i32_0 : i32, i32
  }
  func.func @transform_5(%arg0: i32) -> (i32, i32) {
    %c0_i32 = arith.constant 0 : i32
    %c0_i32_0 = arith.constant 0 : i32
    %c0_i32_1 = arith.constant 0 : i32
    return %c0_i32, %c0_i32_0 : i32, i32
  }
  func.func @transform_6(%arg0: i32) -> (i32, i32) {
    %c0_i32 = arith.constant 0 : i32
    %c0_i32_0 = arith.constant 0 : i32
    return %arg0, %c0_i32 : i32, i32
  }
}

</mosaic_0001>

<sc_bundles>
// kernel: kernel.4.cloned.1.call-start
scs
__scs_entry_jumppad:
0x0: {  	(pc) =	sbr.rel $0x88, $3  }
0x1: {  	(tag) =	ssettag $0x0;
	lr =	simm.s32 $0x1  }
0x2: {  	[smem:$0x3F9A] =	sst lr;
	_ =	strace $0xD0000000  }
0x3: {  	_ = 	snop  }
0x4: {  	_ = 	snop  }
0x5: {  	_ = 	snop  }
0x6: {  	_ = 	snop  }
0x7: {  	_ = 	snop  }
__scs_overlays_trampoline_lowered:
0x8: {  	[smem:$0x3FA9] =	sst s0  }
0x9: {  	[smem:$0x3FAA] =	sst s1  }
0xa: {  	[smem:$0x3FAB] =	sst s2  }
0xb: {  	[smem:$0x3FAC] =	sst s3  }
0xc: {  	[smem:$0x3FAD] =	sst s4  }
0xd: {  	[smem:$0x3FAE] =	sst s5  }
0xe: {  	[smem:$0x3FAF] =	sst s6  }
0xf: {  	[smem:$0x3FB0] =	sst s7  }
0x10: {  	[smem:$0x3FB1] =	sst s8  }
0x11: {  	[smem:$0x3FB2] =	sst s9;
	s0 =	simm.s32 @!p0 $0x0  }
0x12: {  	s1 =	sld [smem:$0x3F98];
	s0 =	simm.s32 @p0 $0x1  }
0x13: {  	[smem:$0x3FB3] =	sst s0;
	s0 =	simm.s32 @!p1 $0x0  }
0x14: {  	s2 =	sld [smem:$0x3F97];
	s0 =	simm.s32 @p1 $0x1  }
0x15: {  	[smem:$0x3FB4] =	sst s0;
	s0 =	simm.s32 @!p2 $0x0  }
0x16: {  	s3 =	sld [smem:$0x3FDB];
	s0 =	simm.s32 @p2 $0x1  }
0x17: {  	s4 =	simm.s32 $0x1BF5;
	[smem:$0x3FB6] =	sst s0  }
0x18: {  	s0 =	sld [smem:$0x3F99];
	_ =	swait.ge [sflag:s4], $0x0  }
0x19: {  	s7 =	sld [smem:$0x3F9A]  }
0x1a: {  	s8 =	sadd.s32 $0xFFFFE003, lr  }
0x1b: {  	s9 =	sadd.s32 $0xFFFFFEF7, lr;
	s5 =	simm.s32 $0xFFFFFFFF;
	p2 =	slt.u32 s8, $0xFFFFF086  }
0x1c: {  	p1 =	slt.u32 s9, $0xF7A;
	s5 =	simm.s32 @!p2 $0x0  }
0x1d: {  	s5 =	simm.s32 @p1 $0x1;
	p0 =	seq.s32 s7, s2  }
0x1e: {  	s7 =	smul.u32 @!p0 $0xF7A, s2;
	p2 =	seq.s32 @!p0 s5, $0x0  }
0x1f: {  	s9 =	smul.u32 $0xF7A, s1;
	s8 =	simm.s32 @!p0 $0x1BF5;
	p2 =	por !p2, p0  }
0x20: {  	[sflag:s8] =	ssyncset.s32 @!p0 $0xFFFFF086;
	s6 =	sadd.s32 @!p0 s3, s7;
	s7 =	simm.s32 @!p0 $0x108  }
0x21: {  	s3 =	sadd.s32 s3, s9;
	s6 =	sadd.s32 @!p0 $0x88, s6;
	s7 =	simm.s32 @p2 $0x1082  }
0x22: {  	[simem:s7], [sflag:s8] =	dma.local @!p0 [hbm:s6], $0xF7A  }
0x23: {  	s9 =	sor.u32 $0xD0000000, s2;
	s6 =	simm.s32 $0x108;
	_ =	swait.ge @!p0 [sflag:s8], $0x0  }
0x24: {  	s3 =	sadd.s32 $0x88, s3;
	s6 =	simm.s32 @!p1 $0x1082;
	[sflag:s4] =	ssyncset.s32 $0xFFFFF086  }
0x25: {  	[simem:s6], [sflag:s4] =	dma.local [hbm:s3], $0xF7A  }
0x26: {  	[smem:$0x3F9A] =	sst s1;
	(tag) =	ssettag s2;
	_ =	strace s9  }
0x27: {  	s1 =	sld [smem:$0x3FAA]  }
0x28: {  	s2 =	sld [smem:$0x3FAB]  }
0x29: {  	s4 =	sld [smem:$0x3FAD]  }
0x2a: {  	p0 =	seq.s32 s5, $0x0;
	s5 =	sld [smem:$0x3FAE]  }
0x2b: {  	s6 =	sld [smem:$0x3FAF]  }
0x2c: {  	s7 =	sld [smem:$0x3FB0]  }
0x2d: {  	s3 =	simm.s32 $0x108;
	s8 =	sld [smem:$0x3FB1]  }
0x2e: {  	s3 =	simm.s32 @!p0 $0x1082;
	s9 =	sld [smem:$0x3FB2]  }
0x2f: {  	lr =	sadd.s32 s0, s3;
	s0 =	sld [smem:$0x3FA9]  }
0x30: {  	s3 =	sld [smem:$0x3FAC]  }
0x31: {  	[smem:$0x3FB5] =	sst s10  }
0x32: {  	s10 =	sld [smem:$0x3FB3];
	_ =	sdelay $0x3  }
0x33: {  	p0 =	seq.s32 s10, $0x1;
	s10 =	sld [smem:$0x3FB5];
	_ =	sdelay $0x3  }
0x34: {  	[smem:$0x3FB5] =	sst s10  }
0x35: {  	s10 =	sld [smem:$0x3FB4];
	_ =	sdelay $0x3  }
0x36: {  	p1 =	seq.s32 s10, $0x1;
	s10 =	sld [smem:$0x3FB5];
	_ =	sdelay $0x3  }
0x37: {  	[smem:$0x3FB5] =	sst s10  }
0x38: {  	s10 =	sld [smem:$0x3FB6]  }
0x39: {  	_ = 	snop;
	(pc) =	sbr.ind lr, $3  }
0x3a: {  	_ = 	snop  }
0x3b: {  	_ = 	snop  }
0x3c: {  	p2 =	seq.s32 s10, $0x1;
	s10 =	sld [smem:$0x3FB5]  }
0x3d: {  	_ =	shalt  }
0x3e: {  	_ =	shalt  }
0x3f: {  	_ =	shalt  }
0x40: {  	_ =	shalt  }
0x41: {  	_ =	shalt  }
0x42: {  	_ =	shalt  }
0x43: {  	_ =	shalt  }
0x44: {  	_ =	shalt  }
0x45: {  	_ =	shalt  }
0x46: {  	_ =	shalt  }
0x47: {  	_ =	shalt  }
0x48: {  	_ =	shalt  }
0x49: {  	_ =	shalt  }
0x4a: {  	_ =	shalt  }
0x4b: {  	_ =	shalt  }
0x4c: {  	_ =	shalt  }
0x4d: {  	_ =	shalt  }
0x4e: {  	_ =	shalt  }
0x4f: {  	_ =	shalt  }
0x50: {  	_ =	shalt  }
0x51: {  	_ =	shalt  }
0x52: {  	_ =	shalt  }
0x53: {  	_ =	shalt  }
0x54: {  	_ =	shalt  }
0x55: {  	_ =	shalt  }
0x56: {  	_ =	shalt  }
0x57: {  	_ =	shalt  }
0x58: {  	_ =	shalt  }
0x59: {  	_ =	shalt  }
0x5a: {  	_ =	shalt  }
0x5b: {  	_ =	shalt  }
0x5c: {  	_ =	shalt  }
0x5d: {  	_ =	shalt  }
0x5e: {  	_ =	shalt  }
0x5f: {  	_ =	shalt  }
0x60: {  	_ =	shalt  }
0x61: {  	_ =	shalt  }
0x62: {  	_ =	shalt  }
0x63: {  	_ =	shalt  }
0x64: {  	_ =	shalt  }
0x65: {  	_ =	shalt  }
0x66: {  	_ =	shalt  }
0x67: {  	_ =	shalt  }
0x68: {  	_ =	shalt  }
0x69: {  	_ =	shalt  }
0x6a: {  	_ =	shalt  }
0x6b: {  	_ =	shalt  }
0x6c: {  	_ =	shalt  }
0x6d: {  	_ =	shalt  }
0x6e: {  	_ =	shalt  }
0x6f: {  	_ =	shalt  }
0x70: {  	_ =	shalt  }
0x71: {  	_ =	shalt  }
0x72: {  	_ =	shalt  }
0x73: {  	_ =	shalt  }
0x74: {  	_ =	shalt  }
0x75: {  	_ =	shalt  }
0x76: {  	_ =	shalt  }
0x77: {  	_ =	shalt  }
0x78: {  	_ =	shalt  }
0x79: {  	_ =	shalt  }
0x7a: {  	_ =	shalt  }
0x7b: {  	_ =	shalt  }
0x7c: {  	_ =	shalt  }
0x7d: {  	_ =	shalt  }
0x7e: {  	_ =	shalt  }
0x7f: {  	_ =	shalt  }
0x80: {  	_ =	shalt  }
0x81: {  	_ =	shalt  }
0x82: {  	_ =	shalt  }
0x83: {  	_ =	shalt  }
0x84: {  	_ =	shalt  }
0x85: {  	_ =	shalt  }
0x86: {  	_ =	shalt  }
0x87: {  	_ =	shalt  }
.Lfunc_end0:
.L_simem_size_0:
called_computation_lowered:
.L_overlay_start_0:
0x88: {  	s2 =	sld [smem:$0x3FD9]  }
0x89: {  	s3 =	sld [smem:$0x3FFE];
	_ =	sdelay $0x1  }
0x8a: {  	s1 =	srdreg.scid  }
0x8b: {  	s0 =	sand.u32 $0x1, s1  }
0x8c: {  	s16 =	sshll.u32 s0, $0xA;
	s2 =	sadd.s32 s3, s2  }
0x8d: {  	s2 =	sadd.s32 s2, s16  }
0x8e: {  	[smem:$0x3FC1] =	sst s2  }
0x8f: {  	_ = 	snop  }
0x90: {  	(tm) =	ssettm $0x1  }
0x91: {  	s17 =	sld [smem:$0x3FFB];
	_ =	sdelay $0x3  }
0x92: {  	_ =	strace s17  }
0x93: {  	s2 =	sld [smem:$0x3FFC];
	_ =	sdelay $0x3  }
0x94: {  	_ =	strace s2  }
0x95: {  	s2 =	sld [smem:$0x3FFD];
	_ =	sdelay $0x3  }
0x96: {  	_ =	strace s2  }
0x97: {  	_ =	strace $0x8FFFFFFF  }
0x98: {  	s18 =	sld [smem:$0x3FDB];
	_ =	sdelay $0x1  }
0x99: {  	s19 =	simm.s32 $_scs_section_size  }
0x9a: {  	s4 =	simm.s32 $_size__tile_overlayer_lowered;
	s5 =	simm.s32 $_tile_overlayer_lowered  }
0x9b: {  	s22 =	simm.s32 $0x1BFF;
	s21 =	sshll.u32 s5, $0x1;
	s2 =	sadd.s32 s19, s18  }
0x9c: {  	s6 =	simm.s32 $0x0;
	s20 =	sshll.u32 s4, $0x1;
	s4 =	sadd.s32 s21, s2  }
0x9d: {  	[timem:s6], [sflag:s22] =	dma.local [hbm:s4], s20  }
0x9e: {  	_ =	swait.ge [sflag:s22], s20  }
0x9f: {  	s3 =	ssub.s32 $0x0, s20;
	[sflag:s22] =	ssyncset.done $0x0  }
0xa0: {  	[sflag:s22] =	ssyncadd.s32 s3;
	_ =	sdelay $0x1  }
0xa1: {  	s23 =	simm.s32 $0x1B8B  }
0xa2: {  	_ =	swait.ge [sflag:s23], $0x1  }
0xa3: {  	[sflag:s23] =	ssyncset.done $0x0  }
0xa4: {  	s25 =	simm.s32 $0x1B8E;
	s24 =	sld [smem:$0x3FFE];
	[sflag:s23] =	ssyncadd.s32 $0xFFFFFFFF  }
0xa5: {  	s26 =	simm.s32 $execute0_lowered;
	[smem:$0x3FD2] =	sst s25  }
0xa6: {  	s4 =	sshll.u32 s26, $0x1;
	_ =	strace $0x80000046;
	[dreg:$0x1] =	wrdreg $0xFFFFFFFF  }
0xa7: {  	s28 =	simm.s32 $_size_execute0_lowered;
	s2 =	sadd.s32 s2, s4;
	[dreg:$0x0] =	wrdreg $0x0  }
0xa8: {  	s4 =	sshll.u32 s28, $0x1;
	[dreg:$0x2] =	wrdreg s2  }
0xa9: {  	[dreg:$0x3] =	wrdreg s4  }
0xaa: {  	[dreg:$0x4] =	wrdreg $0xC0  }
0xab: {  	_ =	task [dreg:s6], $0x5FFFF  }
0xac: {  	[dreg:$0x1] =	wrdreg $0xFFFFFFFF  }
0xad: {  	[dreg:$0x0] =	wrdreg $0x60  }
0xae: {  	[dreg:$0x2] =	wrdreg s24  }
0xaf: {  	[dreg:$0x3] =	wrdreg $0x0  }
0xb0: {  	[dreg:$0x4] =	wrdreg $0x9  }
0xb1: {  	_ =	task.clear_ibuf [dreg:s6], $0x5FFFF;
	_ =	strace $0x90000046  }
0xb2: {  	s29 =	simm.s32 $0x9;
	_ =	strace $0x80000048  }
0xb3: {  	_ =	swait.ge [sflag:s29], $0x1  }
0xb4: {  	[sflag:s29] =	ssyncadd.s32 $0xFFFFFFFF  }
0xb5: {  	_ =	strace $0x90000048  }
0xb6: {  	_ =	sfence  }
0xb7: {  	s30 =	sld [smem:$0x0];
	_ =	sdelay $0x2  }
0xb8: {  	s31 =	sshll.u32 s1, $0xD;
	s1 =	sshrl.u32 s1, $0x2  }
0xb9: {  	s3 =	sand.u32 $0x4000, s31;
	s1 =	sadd.s32 s1, s30  }
0xba: {  	s0 =	sor.u32 s3, s0;
	s1 =	sshll.u32 s1, $0x11  }
0xbb: {  	s0 =	sor.u32 s1, s0  }
0xbc: {  	s0 =	sadd.s32 $0x8F2B, s0  }
0xbd: {  	[sflag:s0] =	ssyncadd.remote.s32 $0x1  }
0xbe: {  	_ =	sfence.sel $0xFFFF  }
0xbf: {  	[dreg:$0x0] =	wrdreg $0xFFFFFFFF;
	(pc) =	sbr.abs _section_cstart, $3  }
0xc0: {  	[dreg:$0x1] =	wrdreg $0xFFFFFFFF  }
0xc1: {  	_ =	task.clear_ibuf [dreg:s6], $0x2FFFF;
	_ =	strace $0x9FFFFFFF  }
0xc2: {  	(tm) =	ssettm $0x7FFFFFFF  }
0xc3: {  	_ =	shalt  }
tec
execute0_lowered:
.L_overlay_start_1:
0x0: {  	(tag) =	ssettag $0x1  }
0x1: {  	s0 =	rddreg [dreg:$0x0]  }
0x2: {  	s1 =	rddreg [dreg:$0x1];
	s2 =	simm.s32 $0x0  }
0x3: {  	s4 =	srdreg.scid;
	s15 =	stileid.u32;
	s28 =	simm.s32 $0xA180  }
0x4: {  	s29 =	simm.s32 $0x3;
	s30 =	simm.s32 $0x5;
	s31 =	simm.s32 $0x80  }
0x5: {  	s3 =	sadd.s32 $0x1A200, s0;
	s6 =	sadd.s32 $0x1200, s0;
	s7 =	sand.u32 $0x1, s4  }
0x6: {  	s4 =	sadd.s32 $0xF5C600, s0;
	s5 =	sshll.u32 s15, $0xC;
	s11 =	sshll.u32 s15, $0xF  }
0x7: {  	s10 =	smul.u32 $0xC800, s15;
	s0 =	sadd.s32 s5, s0;
	s5 =	sadd.s32 s11, s1  }
0x8: {  	[smem:$0x7FF] =	sst s2;
	s25 =	smul.u32 $0x1900, s15;
	s11 =	sadd.s32 $0x1000, s5  }
0x9: {  	_ =	strace $0x80000047;
	s17 =	sadd.s32 $0x2000, s5;
	[dreg:$0x3] =	wrdreg s11  }
0xa: {  	s8 =	smul.u32 $0xC8000, s7;
	s18 =	sadd.s32 $0x3000, s5;
	[dreg:$0x4] =	wrdreg s17  }
0xb: {  	s9 =	ssub.s32 $0x2, s7;
	s19 =	sadd.s32 $0x4000, s5;
	[dreg:$0x5] =	wrdreg s18  }
0xc: {  	s7 =	sshll.u32 s7, $0x10;
	s20 =	sadd.s32 $0x5000, s5;
	[dreg:$0x6] =	wrdreg s19  }
0xd: {  	s12 =	sshrl.u32 s9, $0x1;
	s21 =	sadd.s32 $0x6000, s5;
	[dreg:$0x7] =	wrdreg s20  }
0xe: {  	s22 =	sadd.s32 $0x7000, s5;
	s0 =	sadd.s32 s7, s0;
	[dreg:$0x8] =	wrdreg s21  }
0xf: {  	s9 =	ssub.s32 s9, s12;
	s8 =	sadd.s32 s10, s8;
	[dreg:$0x9] =	wrdreg s22  }
0x10: {  	s10 =	sshrl.u32 s10, $0x3;
	s17 =	sadd.s32 $0x4C200, s0;
	s19 =	sadd.s32 s25, s6  }
0x11: {  	s22 =	simm.s32 $0x8100;
	s25 =	simm.s32 $0xA100;
	s0 =	simm.s32 $0x1  }
0x12: {  	s23 =	sshrl.u32 s8, $0x3;
	s14 =	sadd.s32 s6, s10;
	s26 =	sor.u32 $0x100, s8  }
0x13: {  	s8 =	sor.u32 $0x180, s8;
	s18 =	smax.u32 s9, $0x1;
	s6 =	simm.s32 $0x6  }
0x14: {  	s9 =	simm.s32 $0x0;
	s13 =	sadd.s32 s3, s23;
	s16 =	sadd.s32 $0x10, s14  }
0x15: {  	s7 =	sshrl.u32 s26, $0x3;
	s8 =	sshrl.u32 s8, $0x3;
	s23 =	simm.s32 $0x7  }
0x16: {  	s26 =	simm.s32 $0x8080;
	s24 =	sadd.s32 $0x10, s13;
	s20 =	sadd.s32 s7, s3  }
0x17: {  	s21 =	sadd.s32 s8, s3;
	s3 =	simm.s32 $0x4;
	s7 =	simm.s32 $0x9100  }
0x18: {  	v0 =	vimm.f32 $0.0e+00;
	s8 =	simm.s32 $0x2;
	[dreg:$0xa] =	wrdreg s24;
	s24 =	simm.s32 $0x8000  }
.LBB2_1:
0x19: {  	s10 =	simm.s32 $0x80;
	s11 =	simm.s32 $0x0  }
.LBB2_2:
0x1a: {  	p0 =	sne.s32 s10, $0x3F80;
	[tilespmem:s11+$0x8100] =	vst v0;
	s12 =	smov.u32 s10;
	s10 =	sadd.s32 $0x80, s10  }
.Ltmp0:
0x1b: {  	[tilespmem:s11+$0x8110] =	vst v0;
	(pc) =	sbr.rel @p0 .LBB2_2-.Ltmp0, $2  }
0x1c: {  	_ =	sdelay $0x2  }
0x1d: {  	s11 =	sshra.s32 s12, $0x2  }
0x1e: {  	[tilespmem:s11+$0x8100] =	vst v0  }
0x1f: {  	[tilespmem:s11+$0x8110] =	vst v0  }
0x20: {  	[spmem:s5] =	stream.linear.scatter [tilespmem:s22], [sflag:$0x7], $0x1000, $0x38;
	[tilespmem:$0xA200] =	vst v63  }
0x21: {  	_ =	swait.ge [sflag:s23], $0x1000  }
0x22: {  	[sflag:s23] =	ssyncset.done $0x0  }
0x23: {  	s10 =	rddreg [dreg:$0x3];
	[sflag:s23] =	ssyncadd.s32 $0xFFFFF000  }
0x24: {  	[spmem:s10] =	stream.linear.scatter [tilespmem:s22], [sflag:$0x7], $0x1000, $0x38;
	[tilespmem:$0xA200] =	vst v63  }
0x25: {  	_ =	swait.ge [sflag:s23], $0x1000  }
0x26: {  	[sflag:s23] =	ssyncset.done $0x0  }
0x27: {  	s15 =	rddreg [dreg:$0x4];
	[sflag:s23] =	ssyncadd.s32 $0xFFFFF000  }
0x28: {  	[spmem:s15] =	stream.linear.scatter [tilespmem:s22], [sflag:$0x7], $0x1000, $0x38;
	[tilespmem:$0xA200] =	vst v63  }
0x29: {  	_ =	swait.ge [sflag:s23], $0x1000  }
0x2a: {  	[sflag:s23] =	ssyncset.done $0x0  }
0x2b: {  	s11 =	rddreg [dreg:$0x5];
	[sflag:s23] =	ssyncadd.s32 $0xFFFFF000  }
0x2c: {  	[spmem:s11] =	stream.linear.scatter [tilespmem:s22], [sflag:$0x7], $0x1000, $0x38;
	[tilespmem:$0xA200] =	vst v63  }
0x2d: {  	_ =	swait.ge [sflag:s23], $0x1000  }
0x2e: {  	[sflag:s23] =	ssyncset.done $0x0  }
0x2f: {  	s12 =	rddreg [dreg:$0x6];
	[sflag:s23] =	ssyncadd.s32 $0xFFFFF000  }
0x30: {  	[spmem:s12] =	stream.linear.scatter [tilespmem:s22], [sflag:$0x7], $0x1000, $0x38;
	[tilespmem:$0xA200] =	vst v63  }
0x31: {  	_ =	swait.ge [sflag:s23], $0x1000  }
0x32: {  	[sflag:s23] =	ssyncset.done $0x0  }
0x33: {  	s15 =	rddreg [dreg:$0x7];
	[sflag:s23] =	ssyncadd.s32 $0xFFFFF000  }
0x34: {  	[spmem:s15] =	stream.linear.scatter [tilespmem:s22], [sflag:$0x7], $0x1000, $0x38;
	[tilespmem:$0xA200] =	vst v63  }
0x35: {  	_ =	swait.ge [sflag:s23], $0x1000  }
0x36: {  	[sflag:s23] =	ssyncset.done $0x0  }
0x37: {  	s11 =	rddreg [dreg:$0x8];
	[sflag:s23] =	ssyncadd.s32 $0xFFFFF000  }
0x38: {  	[spmem:s11] =	stream.linear.scatter [tilespmem:s22], [sflag:$0x7], $0x1000, $0x38;
	[tilespmem:$0xA200] =	vst v63  }
0x39: {  	_ =	swait.ge [sflag:s23], $0x1000  }
0x3a: {  	[sflag:s23] =	ssyncset.done $0x0  }
0x3b: {  	s12 =	rddreg [dreg:$0x9];
	[sflag:s23] =	ssyncadd.s32 $0xFFFFF000  }
0x3c: {  	[spmem:s12] =	stream.linear.scatter [tilespmem:s22], [sflag:$0x7], $0x1000, $0x38;
	[tilespmem:$0xA200] =	vst v63  }
0x3d: {  	_ =	swait.ge [sflag:s23], $0x1000  }
0x3e: {  	[sflag:s23] =	ssyncset.done $0x0  }
0x3f: {  	s15 =	simm.s32 $0x0;
	[sflag:s23] =	ssyncadd.s32 $0xFFFFF000  }
0x40: {  	[tilespmem:s24], [sflag:$0x3] =	stream.linear.gather [hbm4b:s13+s15], $0x80, $0x38;
	[tilespmem:$0xA200] =	vst v63  }
0x41: {  	_ = 	snop  }
0x42: {  	[tilespmem:s25], [sflag:$0x5] =	stream.linear.gather [hbm4b:s14+s15], $0x80, $0x38;
	[tilespmem:$0xA200] =	vst v63  }
0x43: {  	s12 =	rddreg [dreg:$0xa]  }
0x44: {  	[tilespmem:s26], [sflag:$0x4] =	stream.linear.gather [hbm4b:s12+s15], $0x80, $0x38;
	[tilespmem:$0xA200] =	vst v63  }
0x45: {  	_ = 	snop  }
0x46: {  	[tilespmem:s28], [sflag:$0x6] =	stream.linear.gather [hbm4b:s16+s15], $0x80, $0x38;
	[tilespmem:$0xA200] =	vst v63  }
0x47: {  	_ =	swait.ge [sflag:s29], $0x80  }
0x48: {  	[sflag:s29] =	ssyncset.done $0x0  }
0x49: {  	[sflag:s29] =	ssyncadd.s32 $0xFFFFFF80  }
0x4a: {  	_ =	swait.ge [sflag:s30], $0x80  }
0x4b: {  	[sflag:s30] =	ssyncset.done $0x0  }
0x4c: {  	[sflag:s30] =	ssyncadd.s32 $0xFFFFFF80  }
0x4d: {  	[tilespmem:s22], [sflag:$0x1] =	stream.indirect.gather [hbm4b:s4+s31], $0x20, s24, s31, $0xb8;
	[tilespmem:$0xA200] =	vst v63  }
0x4e: {  	_ =	swait.ge [sflag:s0], $0x1000  }
0x4f: {  	[sflag:s0] =	ssyncset.done $0x0  }
0x50: {  	[sflag:s0] =	ssyncadd.s32 $0xFFFFF000  }
0x51: {  	_ =	swait.ge [sflag:s3], $0x80  }
0x52: {  	[sflag:s3] =	ssyncset.done $0x0  }
0x53: {  	[sflag:s3] =	ssyncadd.s32 $0xFFFFFF80  }
0x54: {  	_ =	swait.ge [sflag:s6], $0x80  }
0x55: {  	[sflag:s6] =	ssyncset.done $0x0  }
0x56: {  	[sflag:s6] =	ssyncadd.s32 $0xFFFFFF80  }
0x57: {  	[tilespmem:s7], [sflag:$0x2] =	stream.indirect.gather [hbm4b:s4+s31], $0x20, s26, s31, $0xb8;
	[tilespmem:$0xA200] =	vst v63  }
0x58: {  	_ = 	snop  }
0x59: {  	[spmem:s1] =	stream.indirect.scatter.add.f32 [tilespmem:s22], [sflag:$0x7], $0x20, s25, s31, $0xb8;
	[tilespmem:$0xA200] =	vst v63  }
0x5a: {  	_ =	swait.ge [sflag:s23], $0x1000  }
0x5b: {  	[sflag:s23] =	ssyncset.done $0x0  }
0x5c: {  	s11 =	sadd.s32 $0x0, s19;
	s15 =	sadd.s32 $0x0, s20;
	[sflag:s23] =	ssyncadd.s32 $0xFFFFF000  }
0x5d: {  	[tilespmem:s24], [sflag:$0x3] =	stream.linear.gather [hbm4b:s15+s2], $0x80, $0x38;
	[tilespmem:$0xA200] =	vst v63  }
0x5e: {  	s12 =	sadd.s32 $0x20, s11  }
0x5f: {  	[tilespmem:s25], [sflag:$0x5] =	stream.linear.gather [hbm4b:s12+s2], $0x80, $0x38;
	[tilespmem:$0xA200] =	vst v63  }
0x60: {  	_ =	swait.ge [sflag:s8], $0x1000  }
0x61: {  	[sflag:s8] =	ssyncset.done $0x0  }
0x62: {  	[sflag:s8] =	ssyncadd.s32 $0xFFFFF000  }
0x63: {  	_ =	swait.ge [sflag:s29], $0x80  }
0x64: {  	[sflag:s29] =	ssyncset.done $0x0  }
0x65: {  	[sflag:s29] =	ssyncadd.s32 $0xFFFFFF80  }
0x66: {  	_ =	swait.ge [sflag:s30], $0x80  }
0x67: {  	[sflag:s30] =	ssyncset.done $0x0  }
0x68: {  	[sflag:s30] =	ssyncadd.s32 $0xFFFFFF80  }
0x69: {  	[tilespmem:s22], [sflag:$0x1] =	stream.indirect.gather [hbm4b:s4+s31], $0x20, s24, s31, $0xb8;
	[tilespmem:$0xA200] =	vst v63  }
0x6a: {  	_ = 	snop  }
0x6b: {  	[spmem:s1] =	stream.indirect.scatter.add.f32 [tilespmem:s7], [sflag:$0x7], $0x20, s28, s31, $0xb8;
	[tilespmem:$0xA200] =	vst v63  }
0x6c: {  	_ =	swait.ge [sflag:s23], $0x1000  }
0x6d: {  	s10 =	simm.s32 $0x20;
	[sflag:s23] =	ssyncset.done $0x0  }
0x6e: {  	s11 =	sadd.s32 $0x30, s11;
	s15 =	sadd.s32 $0x0, s21;
	[sflag:s23] =	ssyncadd.s32 $0xFFFFF000  }
0x6f: {  	[tilespmem:s26], [sflag:$0x4] =	stream.linear.gather [hbm4b:s15+s2], $0x80, $0x38;
	[tilespmem:$0xA200] =	vst v63  }
.LBB2_4:
0x70: {  	[tilespmem:s28], [sflag:$0x6] =	stream.linear.gather [hbm4b:s11+s2], $0x80, $0x38;
	[tilespmem:$0xA200] =	vst v63  }
0x71: {  	s11 =	smov.u32 s10  }
0x72: {  	p0 =	sne.s32 s10, $0x18C0;
	s10 =	sadd.s32 $0x20, s10;
	_ =	swait.ge [sflag:s0], $0x1000  }
0x73: {  	[sflag:s0] =	ssyncset.done $0x0  }
0x74: {  	[sflag:s0] =	ssyncadd.s32 $0xFFFFF000  }
0x75: {  	_ =	swait.ge [sflag:s3], $0x80  }
0x76: {  	[sflag:s3] =	ssyncset.done $0x0  }
0x77: {  	[sflag:s3] =	ssyncadd.s32 $0xFFFFFF80  }
0x78: {  	_ =	swait.ge [sflag:s6], $0x80  }
0x79: {  	[sflag:s6] =	ssyncset.done $0x0  }
0x7a: {  	[sflag:s6] =	ssyncadd.s32 $0xFFFFFF80  }
0x7b: {  	[tilespmem:s7], [sflag:$0x2] =	stream.indirect.gather [hbm4b:s4+s31], $0x20, s26, s31, $0xb8;
	[tilespmem:$0xA200] =	vst v63  }
0x7c: {  	_ = 	snop  }
0x7d: {  	[spmem:s1] =	stream.indirect.scatter.add.f32 [tilespmem:s22], [sflag:$0x7], $0x20, s25, s31, $0xb8;
	[tilespmem:$0xA200] =	vst v63  }
0x7e: {  	_ =	swait.ge [sflag:s23], $0x1000  }
0x7f: {  	[sflag:s23] =	ssyncset.done $0x0  }
0x80: {  	s12 =	sadd.s32 s11, s20;
	s15 =	sadd.s32 s11, s19;
	[sflag:s23] =	ssyncadd.s32 $0xFFFFF000  }
0x81: {  	[tilespmem:s24], [sflag:$0x3] =	stream.linear.gather [hbm4b:s12+s2], $0x80, $0x38;
	[tilespmem:$0xA200] =	vst v63  }
0x82: {  	s12 =	sadd.s32 $0x20, s15  }
0x83: {  	[tilespmem:s25], [sflag:$0x5] =	stream.linear.gather [hbm4b:s12+s2], $0x80, $0x38;
	[tilespmem:$0xA200] =	vst v63  }
0x84: {  	_ =	swait.ge [sflag:s8], $0x1000  }
0x85: {  	[sflag:s8] =	ssyncset.done $0x0  }
0x86: {  	[sflag:s8] =	ssyncadd.s32 $0xFFFFF000  }
0x87: {  	_ =	swait.ge [sflag:s29], $0x80  }
0x88: {  	[sflag:s29] =	ssyncset.done $0x0  }
0x89: {  	[sflag:s29] =	ssyncadd.s32 $0xFFFFFF80  }
0x8a: {  	_ =	swait.ge [sflag:s30], $0x80  }
0x8b: {  	[sflag:s30] =	ssyncset.done $0x0  }
0x8c: {  	[sflag:s30] =	ssyncadd.s32 $0xFFFFFF80  }
0x8d: {  	[tilespmem:s22], [sflag:$0x1] =	stream.indirect.gather [hbm4b:s4+s31], $0x20, s24, s31, $0xb8;
	[tilespmem:$0xA200] =	vst v63  }
0x8e: {  	_ = 	snop  }
0x8f: {  	[spmem:s1] =	stream.indirect.scatter.add.f32 [tilespmem:s7], [sflag:$0x7], $0x20, s28, s31, $0xb8;
	[tilespmem:$0xA200] =	vst v63  }
.Ltmp1:
0x90: {  	_ =	swait.ge [sflag:s23], $0x1000;
	(pc) =	sbr.rel @p0 .LBB2_4-.Ltmp1, $4  }
0x91: {  	[sflag:s23] =	ssyncset.done $0x0  }
0x92: {  	s11 =	sadd.s32 s11, s21;
	[sflag:s23] =	ssyncadd.s32 $0xFFFFF000  }
0x93: {  	[tilespmem:s26], [sflag:$0x4] =	stream.linear.gather [hbm4b:s11+s2], $0x80, $0x38;
	[tilespmem:$0xA200] =	vst v63  }
0x94: {  	s11 =	sadd.s32 $0x30, s15  }
0x95: {  	[tilespmem:s28], [sflag:$0x6] =	stream.linear.gather [hbm4b:s11+s2], $0x80, $0x38;
	[tilespmem:$0xA200] =	vst v63  }
0x96: {  	_ =	swait.ge [sflag:s0], $0x1000  }
0x97: {  	[sflag:s0] =	ssyncset.done $0x0  }
0x98: {  	[sflag:s0] =	ssyncadd.s32 $0xFFFFF000  }
0x99: {  	_ =	swait.ge [sflag:s3], $0x80  }
0x9a: {  	[sflag:s3] =	ssyncset.done $0x0  }
0x9b: {  	[sflag:s3] =	ssyncadd.s32 $0xFFFFFF80  }
0x9c: {  	_ =	swait.ge [sflag:s6], $0x80  }
0x9d: {  	[sflag:s6] =	ssyncset.done $0x0  }
0x9e: {  	[sflag:s6] =	ssyncadd.s32 $0xFFFFFF80  }
0x9f: {  	[tilespmem:s7], [sflag:$0x2] =	stream.indirect.gather [hbm4b:s4+s31], $0x20, s26, s31, $0xb8;
	[tilespmem:$0xA200] =	vst v63  }
0xa0: {  	_ = 	snop  }
0xa1: {  	[spmem:s1] =	stream.indirect.scatter.add.f32 [tilespmem:s22], [sflag:$0x7], $0x20, s25, s31, $0xb8;
	[tilespmem:$0xA200] =	vst v63  }
0xa2: {  	_ =	swait.ge [sflag:s23], $0x1000  }
0xa3: {  	[sflag:s23] =	ssyncset.done $0x0  }
0xa4: {  	[sflag:s23] =	ssyncadd.s32 $0xFFFFF000  }
0xa5: {  	_ =	swait.ge [sflag:s8], $0x1000  }
0xa6: {  	[sflag:s8] =	ssyncset.done $0x0  }
0xa7: {  	s10 =	stileid.u32;
	[sflag:s8] =	ssyncadd.s32 $0xFFFFF000  }
0xa8: {  	[spmem:s1] =	stream.indirect.scatter.add.f32 [tilespmem:s7], [sflag:$0x7], $0x20, s28, s31, $0xb8;
	[tilespmem:$0xA200] =	vst v63  }
0xa9: {  	s15 =	sshrl.u32 s5, $0x3;
	s9 =	sadd.s32 $0x1, s9;
	_ =	swait.ge [sflag:s23], $0x1000  }
0xaa: {  	s10 =	sshll.u32 s10, $0x6;
	p0 =	sne.s32 s9, s18;
	[sflag:s23] =	ssyncset.done $0x0  }
.Ltmp2:
0xab: {  	s10 =	sor.u32 $0x1C07, s10;
	[sflag:s23] =	ssyncadd.s32 $0xFFFFF000;
	(pc) =	sbr.rel @p0 .LBB2_1-.Ltmp2, $4  }
0xac: {  	[hbm:s17], [sflag:s10] =	dma.local [spmem:s15], $0x1000  }
0xad: {  	_ =	swait.ge [sflag:s23], $0x1000  }
0xae: {  	[sflag:s23] =	ssyncset.done $0x0  }
0xaf: {  	[sflag:s23] =	ssyncadd.s32 $0xFFFFF000  }
0xb0: {  	_ =	sfence.sel $0x180000  }
0xb1: {  	[bflag:$0x0] =	sbarrier.arrive $0xFFFF  }
0xb2: {  	_ =	strace $0x90000047  }
0xb3: {  	s0 =	stileid.u32;
	[bflag:$0x2] =	sbarrier.arrive $0xFFFF  }
0xb4: {  	p0 =	sne.s32 s0, $0x0;
	s0 =	rddreg [dreg:$0x2]  }
0xb5: {  	s0 =	sadd.s32 @!p0 $0x100000, s0  }
0xb6: {  	[sflag:s0] =	ssyncadd.tile.s32 @!p0 $0x1;
	_ =	shalt  }
.Lfunc_end2:
_tile_overlayer_lowered:
.L_overlay_start_2:
0xb7: {  	(tag) =	ssettag $0x2  }
0xb8: {  	s0 =	rddreg [dreg:$0x0];
	s2 =	stileid.u32  }
0xb9: {  	s1 =	rddreg [dreg:$0x1];
	p0 =	sne.s32 s2, $0x0  }
0xba: {  	s3 =	rddreg [dreg:$0x2];
	[bflag:$0x3] =	sbarrier.arrive $0xFFFF;
	s2 =	simm.s32 @!p0 $0x1C07  }
0xbb: {  	[timem:s3], [sflag:s2] =	dma.local @!p0 [hbm:s0], s1  }
0xbc: {  	s0 =	simm.s32 @!p0 $0x7  }
0xbd: {  	_ =	swait.ge @!p0 [sflag:s0], s1  }
0xbe: {  	s1 =	ssub.s32 @!p0 $0x0, s1;
	[sflag:s0] =	ssyncset.done @!p0 $0x0  }
0xbf: {  	[sflag:s0] =	ssyncadd.s32 @!p0 s1  }
0xc0: {  	[bflag:$0x3] =	sbarrier.arrive $0xFFFF  }
0xc1: {  	_ =	shalt  }

</sc_bundles>
